<compile_context>
chip_gen: v7x
topology: tpu7x:2x2x1
jax: 0.10.2.dev20260603
libtpu: 0.0.44.dev20260713+nightly
codegen_flags: <defaults>
</compile_context>

<pallas_src>
import jax
import jax.numpy as jnp
from jax import lax
from jax.experimental import pallas as pl
from jax.experimental.pallas import tpu as pltpu
from jax.experimental.pallas import tpu_sc as plsc

B, L, H = 1024, 200, 3
D = 32
N = B * L
NC, NS, LANES = 2, 16, 16
NW = NC * NS
ROWS_W = N // NW
CHUNK = 128
NIT = ROWS_W // CHUNK
V = 1000000

TCB = 2048
TGRID = (V + TCB - 1) // TCB
YR = TGRID * TCB


def _tc_body(x0, x1, x2, y0, y1, y2):
    eye = jnp.tile(jnp.eye(D, dtype=jnp.float32), (1, 4))
    for x, y in ((x0, y0), (x1, y1), (x2, y2)):
        xv = x[...]
        y[...] = lax.dot_general(xv, eye, (((0,), (0,)), ((), ())),
                                 preferred_element_type=jnp.float32)


def _tc_repack(t0t, t1t, t2t):
    in_spec = pl.BlockSpec((32, TCB), lambda j: (0, j))
    out_spec = pl.BlockSpec((TCB, 128), lambda j: (j, 0))
    return pl.pallas_call(
        _tc_body,
        grid=(TGRID,),
        in_specs=[in_spec] * H,
        out_specs=[out_spec] * H,
        out_shape=[jax.ShapeDtypeStruct((YR, 128), jnp.float32)] * H,
    )(t0t, t1t, t2t)


def _gbody(idx0_hbm, idx1_hbm, idx2_hbm, feats_hbm, y0, y1, y2, wb_hbm,
           out_hbm, iv0, iv1, iv2,
           feats_v, wb_v, g0_v, g1_v, g2_v, asm_v, sem):
    wid = lax.axis_index("s") * NC + lax.axis_index("c")

    pltpu.sync_copy(wb_hbm, wb_v)
    w_lo = wb_v[pl.ds(0, LANES)]
    w_hi = wb_v[pl.ds(LANES, LANES)]
    b_lo = wb_v[pl.ds(2 * LANES, LANES)]
    b_hi = wb_v[pl.ds(3 * LANES, LANES)]

    def iteration(it, carry):
        base = wid * ROWS_W + it * CHUNK

        pltpu.sync_copy(feats_hbm.at[pl.ds(base, CHUNK)], feats_v)
        pltpu.sync_copy(idx0_hbm.at[pl.ds(base, CHUNK)], iv0)
        pltpu.sync_copy(idx1_hbm.at[pl.ds(base, CHUNK)], iv1)
        pltpu.sync_copy(idx2_hbm.at[pl.ds(base, CHUNK)], iv2)

        copies = []
        for tbl, iv, gv in ((y0, iv0, g0_v), (y1, iv1, g1_v),
                            (y2, iv2, g2_v)):
            copies.append(pltpu.make_async_copy(
                tbl.at[iv.at[pl.ds(0, CHUNK)]], gv, sem))
        for c in copies:
            c.start()

        def enc(i16, c):
            fvec = feats_v[pl.ds(i16 * LANES, LANES)]
            for k in range(LANES):
                fv = jnp.full((LANES,), fvec[k])
                asm_v[i16 * LANES + k, pl.ds(96, LANES)] = fv * w_lo + b_lo
                asm_v[i16 * LANES + k, pl.ds(112, LANES)] = fv * w_hi + b_hi
            return c
        lax.fori_loop(0, CHUNK // LANES, enc, 0)

        for c in copies:
            c.wait()

        def extract(i16, c):
            for k in range(LANES):
                r = i16 * LANES + k
                for gv, lane0 in ((g0_v, 0), (g1_v, 32), (g2_v, 64)):
                    asm_v[r, pl.ds(lane0, LANES)] = gv[r, pl.ds(0, LANES)]
                    asm_v[r, pl.ds(lane0 + LANES, LANES)] = (
                        gv[r, pl.ds(LANES, LANES)])
            return c
        lax.fori_loop(0, CHUNK // LANES, extract, 0)

        pltpu.sync_copy(asm_v, out_hbm.at[pl.ds(base, CHUNK), :])
        return carry

    lax.fori_loop(0, NIT, iteration, 0)


def _sc_embed(idx0, idx1, idx2, feats, y0, y1, y2, wb):
    mesh = plsc.VectorSubcoreMesh(core_axis_name="c", subcore_axis_name="s",
                                  num_cores=NC, num_subcores=NS)
    f = pl.kernel(
        _gbody,
        out_type=jax.ShapeDtypeStruct((N, 4 * D), jnp.float32),
        mesh=mesh,
        compiler_params=pltpu.CompilerParams(use_tc_tiling_on_sc=True),
        scratch_types=[
            pltpu.VMEM((CHUNK,), jnp.int32),
            pltpu.VMEM((CHUNK,), jnp.int32),
            pltpu.VMEM((CHUNK,), jnp.int32),
            pltpu.VMEM((CHUNK,), jnp.float32),
            pltpu.VMEM((4 * LANES,), jnp.float32),
            pltpu.VMEM((CHUNK, 128), jnp.float32),
            pltpu.VMEM((CHUNK, 128), jnp.float32),
            pltpu.VMEM((CHUNK, 128), jnp.float32),
            pltpu.VMEM((CHUNK, 128), jnp.float32),
            pltpu.SemaphoreType.DMA,
        ],
    )
    return f(idx0, idx1, idx2, feats, y0, y1, y2, wb)


@jax.jit
def _run(tokens, features, T0, T1, T2, W, b):
    tok = tokens.reshape(N, H)
    feats = features.reshape(N)
    wb = jnp.concatenate([W.reshape(D), b.reshape(D)])
    y0, y1, y2 = _tc_repack(T0.T, T1.T, T2.T)
    out = _sc_embed(tok[:, 0], tok[:, 1], tok[:, 2], feats, y0, y1, y2, wb)
    return out.reshape(B, L, (H + 1) * D)


def kernel(tokens, features, T0, T1, T2, W, b):
    return _run(tokens, features, T0, T1, T2, W, b)

# --- scband reference (transcript-rebuilt; emitter-appended) ---
"""Pipeline reference for scband-learnable-embedding-42356967473335 (READ-ONLY COPY).

The authoritative reference and input builder live on the scoring server;
editing this copy changes nothing except your own understanding.
"""

import jax, jax.numpy as jnp
import numpy as np

B, L, H = 1024, 200, 3
VOCAB = 1000000
D_EMB = 32
N_FEATURE = 1
D_FEATURE = 32


def setup_inputs(seed: int = 0) -> dict:
    key = jax.random.key(seed)
    k_tok, k_feat, k0, k1, k2, kw, kb = jax.random.split(key, 7)
    tokens = jax.random.randint(k_tok, (B, L, H), 0, VOCAB, dtype=jnp.int64 if jax.config.jax_enable_x64 else jnp.int32).astype(jnp.int32)
    features = jax.random.normal(k_feat, (B, L), dtype=jnp.float32)
    # hierarchical embedding tables, one per hierarchy level
    T0 = jax.random.normal(k0, (VOCAB, D_EMB), dtype=jnp.float32) * 0.02
    T1 = jax.random.normal(k1, (VOCAB, D_EMB), dtype=jnp.float32) * 0.02
    T2 = jax.random.normal(k2, (VOCAB, D_EMB), dtype=jnp.float32) * 0.02
    # proj = nn.Linear(n_feature=1, d_feature=32)
    W = jax.random.normal(kw, (N_FEATURE, D_FEATURE), dtype=jnp.float32) * (1.0 / np.sqrt(N_FEATURE))
    b = jnp.zeros((D_FEATURE,), dtype=jnp.float32)
    return {"tokens": tokens, "features": features, "T0": T0, "T1": T1, "T2": T2, "W": W, "b": b}


def reference(tokens, features, T0, T1, T2, W, b):
    # HierarchicalEmbedding: per-level table lookup, concat along feature dim
    e0 = jnp.take(T0, tokens[:, :, 0], axis=0)  # [B, L, 32]
    e1 = jnp.take(T1, tokens[:, :, 1], axis=0)  # [B, L, 32]
    e2 = jnp.take(T2, tokens[:, :, 2], axis=0)  # [B, L, 32]
    token_embedding = jnp.concatenate([e0, e1, e2], axis=2)  # [B, L, 96]
    # features is 2D -> unsqueeze last dim: [B, L, 1]
    feats = features[:, :, None]
    # n_feature > 0 and d_feature > n_feature -> apply projection
    encoding = feats @ W + b  # [B, L, 32]
    return jnp.concatenate([token_embedding, encoding], axis=2)  # [B, L, 128]

if __name__ == "__main__":
    import jax
    _d = setup_inputs()
    print(jax.jit(kernel)(*tuple(_d.values())))

</pallas_src>

<mosaic_0001>
#map = affine_map<(d0, d1) -> (0)>
#map1 = affine_map<(d0, d1) -> (0, 0)>
module attributes {stable_mosaic.version = 14 : i64} {
  func.func @_gbody(%arg0: i32, %arg1: i32, %arg2: memref<204800xi32, #tpu.memory_space<hbm>>, %arg3: memref<204800xi32, #tpu.memory_space<hbm>>, %arg4: memref<204800xi32, #tpu.memory_space<hbm>>, %arg5: memref<204800xf32, #tpu.memory_space<hbm>>, %arg6: memref<1001472x128xf32, #tpu.memory_space<hbm>>, %arg7: memref<1001472x128xf32, #tpu.memory_space<hbm>>, %arg8: memref<1001472x128xf32, #tpu.memory_space<hbm>>, %arg9: memref<64xf32, #tpu.memory_space<hbm>>, %arg10: memref<204800x128xf32, #tpu.memory_space<hbm>>, %arg11: memref<128xi32, #tpu.memory_space<vmem>>, %arg12: memref<128xi32, #tpu.memory_space<vmem>>, %arg13: memref<128xi32, #tpu.memory_space<vmem>>, %arg14: memref<128xf32, #tpu.memory_space<vmem>>, %arg15: memref<64xf32, #tpu.memory_space<vmem>>, %arg16: memref<128x128xf32, #tpu.memory_space<vmem>>, %arg17: memref<128x128xf32, #tpu.memory_space<vmem>>, %arg18: memref<128x128xf32, #tpu.memory_space<vmem>>, %arg19: memref<128x128xf32, #tpu.memory_space<vmem>>, %arg20: memref<!tpu.dma_semaphore, #tpu.memory_space<semaphore_mem>>) attributes {dimension_semantics = [#tpu.dimension_semantics<core_parallel>, #tpu.dimension_semantics<subcore_parallel>], iteration_bounds = array<i64: 2, 16>, scalar_prefetch = 0 : i64, scratch_operands = 10 : i64, tpu.core_type = #tpu.core_type<sc_vector_subcore>, window_params = [{transform_indices = #map}, {transform_indices = #map}, {transform_indices = #map}, {transform_indices = #map}, {transform_indices = #map1}, {transform_indices = #map1}, {transform_indices = #map1}, {transform_indices = #map}, {transform_indices = #map1}]} {
    %mul3A = arith.constant 2 : i32
    %mul3A_0 = arith.muli %arg1, %mul3A : i32
    %add3A = arith.addi %mul3A_0, %arg0 : i32
    "tpu.region"() ({
      %run_scoped3A = tpu.sem_alloc : memref<!tpu.dma_semaphore, #tpu.memory_space<semaphore_mem>>
      tpu.enqueue_dma source(%arg9 : memref<64xf32, #tpu.memory_space<hbm>>) target(%arg15 : memref<64xf32, #tpu.memory_space<vmem>>) target_semaphore(%run_scoped3A : memref<!tpu.dma_semaphore, #tpu.memory_space<semaphore_mem>>)
      tpu.wait_dma2 semaphore(%run_scoped3A : memref<!tpu.dma_semaphore, #tpu.memory_space<semaphore_mem>>) src(%arg9 : memref<64xf32, #tpu.memory_space<hbm>>) dst(%arg15 : memref<64xf32, #tpu.memory_space<vmem>>)
      tpu.yield
    }) : () -> ()
    %get3A = arith.constant 0 : index
    %get3A_1 = tpu.vector_load %arg15[%get3A] {strides = array<i32>} : memref<64xf32, #tpu.memory_space<vmem>>, vector<16xf32>,
    %get3A_2 = vector.shape_cast %get3A_1 : vector<16xf32> to vector<16xf32>
    %get3A_3 = arith.constant 16 : index
    %get3A_4 = tpu.vector_load %arg15[%get3A_3] {strides = array<i32>} : memref<64xf32, #tpu.memory_space<vmem>>, vector<16xf32>,
    %get3A_5 = vector.shape_cast %get3A_4 : vector<16xf32> to vector<16xf32>
    %get3A_6 = arith.constant 32 : index
    %get3A_7 = tpu.vector_load %arg15[%get3A_6] {strides = array<i32>} : memref<64xf32, #tpu.memory_space<vmem>>, vector<16xf32>,
    %get3A_8 = vector.shape_cast %get3A_7 : vector<16xf32> to vector<16xf32>
    %get3A_9 = arith.constant 48 : index
    %get3A_10 = tpu.vector_load %arg15[%get3A_9] {strides = array<i32>} : memref<64xf32, #tpu.memory_space<vmem>>, vector<16xf32>,
    %get3A_11 = vector.shape_cast %get3A_10 : vector<16xf32> to vector<16xf32>
    %scan3A = arith.constant 0 : i32
    %scan3A_12 = arith.constant 0 : i32
    %scan3A_13 = arith.constant 50 : i32
    %scan3A_14 = arith.addi %scan3A_12, %scan3A_13 : i32
    %scan3A_15 = arith.constant 1 : i32
    scf.for %scan3A_17 = %scan3A_12 to %scan3A_14 step %scan3A_15  : i32 {
      %mul3A_18 = arith.constant 6400 : i32
      %mul3A_19 = arith.muli %add3A, %mul3A_18 : i32
      %mul3A_20 = arith.constant 128 : i32
      %mul3A_21 = arith.muli %scan3A_17, %mul3A_20 : i32
      %add3A_22 = arith.addi %mul3A_19, %mul3A_21 : i32
      "tpu.region"() ({
        %run_scoped3A = tpu.sem_alloc : memref<!tpu.dma_semaphore, #tpu.memory_space<semaphore_mem>>
        %dma_start3A_63 = tpu.memref_slice %arg5[%add3A_22] : memref<204800xf32, #tpu.memory_space<hbm>> -> memref<128xf32, #tpu.memory_space<hbm>>
        %dma_start3A_64 = tpu.memref_slice %arg5[%add3A_22] : memref<204800xf32, #tpu.memory_space<hbm>> -> memref<128xf32, #tpu.memory_space<hbm>>
        tpu.enqueue_dma source(%dma_start3A_64 : memref<128xf32, #tpu.memory_space<hbm>>) target(%arg14 : memref<128xf32, #tpu.memory_space<vmem>>) target_semaphore(%run_scoped3A : memref<!tpu.dma_semaphore, #tpu.memory_space<semaphore_mem>>)
        %dma_wait3A_65 = tpu.memref_slice %arg5[%add3A_22] : memref<204800xf32, #tpu.memory_space<hbm>> -> memref<128xf32, #tpu.memory_space<hbm>>
        %dma_wait3A_66 = tpu.memref_slice %arg5[%add3A_22] : memref<204800xf32, #tpu.memory_space<hbm>> -> memref<128xf32, #tpu.memory_space<hbm>>
        tpu.wait_dma2 semaphore(%run_scoped3A : memref<!tpu.dma_semaphore, #tpu.memory_space<semaphore_mem>>) src(%dma_wait3A_66 : memref<128xf32, #tpu.memory_space<hbm>>) dst(%arg14 : memref<128xf32, #tpu.memory_space<vmem>>)
        tpu.yield
      }) : () -> ()
      "tpu.region"() ({
        %run_scoped3A = tpu.sem_alloc : memref<!tpu.dma_semaphore, #tpu.memory_space<semaphore_mem>>
        %dma_start3A_63 = tpu.memref_slice %arg2[%add3A_22] : memref<204800xi32, #tpu.memory_space<hbm>> -> memref<128xi32, #tpu.memory_space<hbm>>
        %dma_start3A_64 = tpu.memref_slice %arg2[%add3A_22] : memref<204800xi32, #tpu.memory_space<hbm>> -> memref<128xi32, #tpu.memory_space<hbm>>
        tpu.enqueue_dma source(%dma_start3A_64 : memref<128xi32, #tpu.memory_space<hbm>>) target(%arg11 : memref<128xi32, #tpu.memory_space<vmem>>) target_semaphore(%run_scoped3A : memref<!tpu.dma_semaphore, #tpu.memory_space<semaphore_mem>>)
        %dma_wait3A_65 = tpu.memref_slice %arg2[%add3A_22] : memref<204800xi32, #tpu.memory_space<hbm>> -> memref<128xi32, #tpu.memory_space<hbm>>
        %dma_wait3A_66 = tpu.memref_slice %arg2[%add3A_22] : memref<204800xi32, #tpu.memory_space<hbm>> -> memref<128xi32, #tpu.memory_space<hbm>>
        tpu.wait_dma2 semaphore(%run_scoped3A : memref<!tpu.dma_semaphore, #tpu.memory_space<semaphore_mem>>) src(%dma_wait3A_66 : memref<128xi32, #tpu.memory_space<hbm>>) dst(%arg11 : memref<128xi32, #tpu.memory_space<vmem>>)
        tpu.yield
      }) : () -> ()
      "tpu.region"() ({
        %run_scoped3A = tpu.sem_alloc : memref<!tpu.dma_semaphore, #tpu.memory_space<semaphore_mem>>
        %dma_start3A_63 = tpu.memref_slice %arg3[%add3A_22] : memref<204800xi32, #tpu.memory_space<hbm>> -> memref<128xi32, #tpu.memory_space<hbm>>
        %dma_start3A_64 = tpu.memref_slice %arg3[%add3A_22] : memref<204800xi32, #tpu.memory_space<hbm>> -> memref<128xi32, #tpu.memory_space<hbm>>
        tpu.enqueue_dma source(%dma_start3A_64 : memref<128xi32, #tpu.memory_space<hbm>>) target(%arg12 : memref<128xi32, #tpu.memory_space<vmem>>) target_semaphore(%run_scoped3A : memref<!tpu.dma_semaphore, #tpu.memory_space<semaphore_mem>>)
        %dma_wait3A_65 = tpu.memref_slice %arg3[%add3A_22] : memref<204800xi32, #tpu.memory_space<hbm>> -> memref<128xi32, #tpu.memory_space<hbm>>
        %dma_wait3A_66 = tpu.memref_slice %arg3[%add3A_22] : memref<204800xi32, #tpu.memory_space<hbm>> -> memref<128xi32, #tpu.memory_space<hbm>>
        tpu.wait_dma2 semaphore(%run_scoped3A : memref<!tpu.dma_semaphore, #tpu.memory_space<semaphore_mem>>) src(%dma_wait3A_66 : memref<128xi32, #tpu.memory_space<hbm>>) dst(%arg12 : memref<128xi32, #tpu.memory_space<vmem>>)
        tpu.yield
      }) : () -> ()
      "tpu.region"() ({
        %run_scoped3A = tpu.sem_alloc : memref<!tpu.dma_semaphore, #tpu.memory_space<semaphore_mem>>
        %dma_start3A_63 = tpu.memref_slice %arg4[%add3A_22] : memref<204800xi32, #tpu.memory_space<hbm>> -> memref<128xi32, #tpu.memory_space<hbm>>
        %dma_start3A_64 = tpu.memref_slice %arg4[%add3A_22] : memref<204800xi32, #tpu.memory_space<hbm>> -> memref<128xi32, #tpu.memory_space<hbm>>
        tpu.enqueue_dma source(%dma_start3A_64 : memref<128xi32, #tpu.memory_space<hbm>>) target(%arg13 : memref<128xi32, #tpu.memory_space<vmem>>) target_semaphore(%run_scoped3A : memref<!tpu.dma_semaphore, #tpu.memory_space<semaphore_mem>>)
        %dma_wait3A_65 = tpu.memref_slice %arg4[%add3A_22] : memref<204800xi32, #tpu.memory_space<hbm>> -> memref<128xi32, #tpu.memory_space<hbm>>
        %dma_wait3A_66 = tpu.memref_slice %arg4[%add3A_22] : memref<204800xi32, #tpu.memory_space<hbm>> -> memref<128xi32, #tpu.memory_space<hbm>>
        tpu.wait_dma2 semaphore(%run_scoped3A : memref<!tpu.dma_semaphore, #tpu.memory_space<semaphore_mem>>) src(%dma_wait3A_66 : memref<128xi32, #tpu.memory_space<hbm>>) dst(%arg13 : memref<128xi32, #tpu.memory_space<vmem>>)
        tpu.yield
      }) : () -> ()
      %dma_start3A = arith.constant 0 : i32
      %dma_start3A_23 = tpu.memref_slice %arg11[%dma_start3A] : memref<128xi32, #tpu.memory_space<vmem>> -> memref<128xi32, #tpu.memory_space<vmem>>
      %dma_start3A_24 = arith.constant 0 : i32
      %dma_start3A_25 = arith.constant 0 : i32
      %dma_start3A_26 = tpu.memref_slice %arg6[%dma_start3A_24, %dma_start3A_25] : memref<1001472x128xf32, #tpu.memory_space<hbm>> -> memref<1001472x128xf32, #tpu.memory_space<hbm>>
      tpu.enqueue_indirect_dma source(%dma_start3A_26 : memref<1001472x128xf32, #tpu.memory_space<hbm>>) target(%arg16 : memref<128x128xf32, #tpu.memory_space<vmem>>) offsets(%dma_start3A_23 : memref<128xi32, #tpu.memory_space<vmem>>) semaphore(%arg20 : memref<!tpu.dma_semaphore, #tpu.memory_space<semaphore_mem>>)
      %dma_start3A_27 = arith.constant 0 : i32
      %dma_start3A_28 = tpu.memref_slice %arg12[%dma_start3A_27] : memref<128xi32, #tpu.memory_space<vmem>> -> memref<128xi32, #tpu.memory_space<vmem>>
      %dma_start3A_29 = arith.constant 0 : i32
      %dma_start3A_30 = arith.constant 0 : i32
      %dma_start3A_31 = tpu.memref_slice %arg7[%dma_start3A_29, %dma_start3A_30] : memref<1001472x128xf32, #tpu.memory_space<hbm>> -> memref<1001472x128xf32, #tpu.memory_space<hbm>>
      tpu.enqueue_indirect_dma source(%dma_start3A_31 : memref<1001472x128xf32, #tpu.memory_space<hbm>>) target(%arg17 : memref<128x128xf32, #tpu.memory_space<vmem>>) offsets(%dma_start3A_28 : memref<128xi32, #tpu.memory_space<vmem>>) semaphore(%arg20 : memref<!tpu.dma_semaphore, #tpu.memory_space<semaphore_mem>>)
      %dma_start3A_32 = arith.constant 0 : i32
      %dma_start3A_33 = tpu.memref_slice %arg13[%dma_start3A_32] : memref<128xi32, #tpu.memory_space<vmem>> -> memref<128xi32, #tpu.memory_space<vmem>>
      %dma_start3A_34 = arith.constant 0 : i32
      %dma_start3A_35 = arith.constant 0 : i32
      %dma_start3A_36 = tpu.memref_slice %arg8[%dma_start3A_34, %dma_start3A_35] : memref<1001472x128xf32, #tpu.memory_space<hbm>> -> memref<1001472x128xf32, #tpu.memory_space<hbm>>
      tpu.enqueue_indirect_dma source(%dma_start3A_36 : memref<1001472x128xf32, #tpu.memory_space<hbm>>) target(%arg18 : memref<128x128xf32, #tpu.memory_space<vmem>>) offsets(%dma_start3A_33 : memref<128xi32, #tpu.memory_space<vmem>>) semaphore(%arg20 : memref<!tpu.dma_semaphore, #tpu.memory_space<semaphore_mem>>)
      %scan3A_37 = arith.constant 0 : i32
      %scan3A_38 = arith.constant 0 : i32
      %scan3A_39 = arith.constant 8 : i32
      %scan3A_40 = arith.addi %scan3A_38, %scan3A_39 : i32
      %scan3A_41 = arith.constant 1 : i32
      scf.for %scan3A_63 = %scan3A_38 to %scan3A_40 step %scan3A_41  : i32 {
        %mul3A_64 = arith.constant 16 : i32
        %mul3A_65 = arith.muli %scan3A_63, %mul3A_64 : i32
        %get3A_66 = arith.index_cast %mul3A_65 : i32 to index
        %get3A_67 = tpu.vector_load %arg14[%get3A_66] {strides = array<i32>} : memref<128xf32, #tpu.memory_space<vmem>>, vector<16xf32>,
        %get3A_68 = vector.shape_cast %get3A_67 : vector<16xf32> to vector<16xf32>
        %slice3A = vector.extract_strided_slice %get3A_68 {offsets = [0], sizes = [1], strides = [1]} : vector<16xf32> to vector<1xf32>
        %squeeze3A = vector.extract %slice3A[0] : f32 from vector<1xf32>
        %broadcast_in_dim3A = vector.broadcast %squeeze3A : f32 to vector<16xf32>
        %mul3A_69 = arith.mulf %broadcast_in_dim3A, %get3A_2 : vector<16xf32>
        %add3A_70 = arith.addf %mul3A_69, %get3A_8 : vector<16xf32>
        %mul3A_71 = arith.constant 16 : i32
        %mul3A_72 = arith.muli %scan3A_63, %mul3A_71 : i32
        %add3A_73 = arith.constant 0 : i32
        %add3A_74 = arith.addi %mul3A_72, %add3A_73 : i32
        %swap3A = arith.index_cast %add3A_74 : i32 to index
        %swap3A_75 = arith.constant 96 : index
        %swap3A_76 = tpu.vector_load %arg19[%swap3A, %swap3A_75] {strides = array<i32>} : memref<128x128xf32, #tpu.memory_space<vmem>>, vector<1x16xf32>,
        %swap3A_77 = vector.shape_cast %swap3A_76 : vector<1x16xf32> to vector<16xf32>
        %swap3A_78 = vector.shape_cast %add3A_70 : vector<16xf32> to vector<1x16xf32>
        tpu.vector_store %arg19[%swap3A, %swap3A_75], %swap3A_78 {strides = array<i32>} : memref<128x128xf32, #tpu.memory_space<vmem>>, vector<1x16xf32>,
        %mul3A_79 = arith.mulf %broadcast_in_dim3A, %get3A_5 : vector<16xf32>
        %add3A_80 = arith.addf %mul3A_79, %get3A_11 : vector<16xf32>
        %mul3A_81 = arith.constant 16 : i32
        %mul3A_82 = arith.muli %scan3A_63, %mul3A_81 : i32
        %add3A_83 = arith.constant 0 : i32
        %add3A_84 = arith.addi %mul3A_82, %add3A_83 : i32
        %swap3A_85 = arith.index_cast %add3A_84 : i32 to index
        %swap3A_86 = arith.constant 112 : index
        %swap3A_87 = tpu.vector_load %arg19[%swap3A_85, %swap3A_86] {strides = array<i32>} : memref<128x128xf32, #tpu.memory_space<vmem>>, vector<1x16xf32>,
        %swap3A_88 = vector.shape_cast %swap3A_87 : vector<1x16xf32> to vector<16xf32>
        %swap3A_89 = vector.shape_cast %add3A_80 : vector<16xf32> to vector<1x16xf32>
        tpu.vector_store %arg19[%swap3A_85, %swap3A_86], %swap3A_89 {strides = array<i32>} : memref<128x128xf32, #tpu.memory_space<vmem>>, vector<1x16xf32>,
        %slice3A_90 = vector.extract_strided_slice %get3A_68 {offsets = [1], sizes = [1], strides = [1]} : vector<16xf32> to vector<1xf32>
        %squeeze3A_91 = vector.extract %slice3A_90[0] : f32 from vector<1xf32>
        %broadcast_in_dim3A_92 = vector.broadcast %squeeze3A_91 : f32 to vector<16xf32>
        %mul3A_93 = arith.mulf %broadcast_in_dim3A_92, %get3A_2 : vector<16xf32>
        %add3A_94 = arith.addf %mul3A_93, %get3A_8 : vector<16xf32>
        %mul3A_95 = arith.constant 16 : i32
        %mul3A_96 = arith.muli %scan3A_63, %mul3A_95 : i32
        %add3A_97 = arith.constant 1 : i32
        %add3A_98 = arith.addi %mul3A_96, %add3A_97 : i32
        %swap3A_99 = arith.index_cast %add3A_98 : i32 to index
        %swap3A_100 = arith.constant 96 : index
        %swap3A_101 = tpu.vector_load %arg19[%swap3A_99, %swap3A_100] {strides = array<i32>} : memref<128x128xf32, #tpu.memory_space<vmem>>, vector<1x16xf32>,
        %swap3A_102 = vector.shape_cast %swap3A_101 : vector<1x16xf32> to vector<16xf32>
        %swap3A_103 = vector.shape_cast %add3A_94 : vector<16xf32> to vector<1x16xf32>
        tpu.vector_store %arg19[%swap3A_99, %swap3A_100], %swap3A_103 {strides = array<i32>} : memref<128x128xf32, #tpu.memory_space<vmem>>, vector<1x16xf32>,
        %mul3A_104 = arith.mulf %broadcast_in_dim3A_92, %get3A_5 : vector<16xf32>
        %add3A_105 = arith.addf %mul3A_104, %get3A_11 : vector<16xf32>
        %mul3A_106 = arith.constant 16 : i32
        %mul3A_107 = arith.muli %scan3A_63, %mul3A_106 : i32
        %add3A_108 = arith.constant 1 : i32
        %add3A_109 = arith.addi %mul3A_107, %add3A_108 : i32
        %swap3A_110 = arith.index_cast %add3A_109 : i32 to index
        %swap3A_111 = arith.constant 112 : index
        %swap3A_112 = tpu.vector_load %arg19[%swap3A_110, %swap3A_111] {strides = array<i32>} : memref<128x128xf32, #tpu.memory_space<vmem>>, vector<1x16xf32>,
        %swap3A_113 = vector.shape_cast %swap3A_112 : vector<1x16xf32> to vector<16xf32>
        %swap3A_114 = vector.shape_cast %add3A_105 : vector<16xf32> to vector<1x16xf32>
        tpu.vector_store %arg19[%swap3A_110, %swap3A_111], %swap3A_114 {strides = array<i32>} : memref<128x128xf32, #tpu.memory_space<vmem>>, vector<1x16xf32>,
        %slice3A_115 = vector.extract_strided_slice %get3A_68 {offsets = [2], sizes = [1], strides = [1]} : vector<16xf32> to vector<1xf32>
        %squeeze3A_116 = vector.extract %slice3A_115[0] : f32 from vector<1xf32>
        %broadcast_in_dim3A_117 = vector.broadcast %squeeze3A_116 : f32 to vector<16xf32>
        %mul3A_118 = arith.mulf %broadcast_in_dim3A_117, %get3A_2 : vector<16xf32>
        %add3A_119 = arith.addf %mul3A_118, %get3A_8 : vector<16xf32>
        %mul3A_120 = arith.constant 16 : i32
        %mul3A_121 = arith.muli %scan3A_63, %mul3A_120 : i32
        %add3A_122 = arith.constant 2 : i32
        %add3A_123 = arith.addi %mul3A_121, %add3A_122 : i32
        %swap3A_124 = arith.index_cast %add3A_123 : i32 to index
        %swap3A_125 = arith.constant 96 : index
        %swap3A_126 = tpu.vector_load %arg19[%swap3A_124, %swap3A_125] {strides = array<i32>} : memref<128x128xf32, #tpu.memory_space<vmem>>, vector<1x16xf32>,
        %swap3A_127 = vector.shape_cast %swap3A_126 : vector<1x16xf32> to vector<16xf32>
        %swap3A_128 = vector.shape_cast %add3A_119 : vector<16xf32> to vector<1x16xf32>
        tpu.vector_store %arg19[%swap3A_124, %swap3A_125], %swap3A_128 {strides = array<i32>} : memref<128x128xf32, #tpu.memory_space<vmem>>, vector<1x16xf32>,
        %mul3A_129 = arith.mulf %broadcast_in_dim3A_117, %get3A_5 : vector<16xf32>
        %add3A_130 = arith.addf %mul3A_129, %get3A_11 : vector<16xf32>
        %mul3A_131 = arith.constant 16 : i32
        %mul3A_132 = arith.muli %scan3A_63, %mul3A_131 : i32
        %add3A_133 = arith.constant 2 : i32
        %add3A_134 = arith.addi %mul3A_132, %add3A_133 : i32
        %swap3A_135 = arith.index_cast %add3A_134 : i32 to index
        %swap3A_136 = arith.constant 112 : index
        %swap3A_137 = tpu.vector_load %arg19[%swap3A_135, %swap3A_136] {strides = array<i32>} : memref<128x128xf32, #tpu.memory_space<vmem>>, vector<1x16xf32>,
        %swap3A_138 = vector.shape_cast %swap3A_137 : vector<1x16xf32> to vector<16xf32>
        %swap3A_139 = vector.shape_cast %add3A_130 : vector<16xf32> to vector<1x16xf32>
        tpu.vector_store %arg19[%swap3A_135, %swap3A_136], %swap3A_139 {strides = array<i32>} : memref<128x128xf32, #tpu.memory_space<vmem>>, vector<1x16xf32>,
        %slice3A_140 = vector.extract_strided_slice %get3A_68 {offsets = [3], sizes = [1], strides = [1]} : vector<16xf32> to vector<1xf32>
        %squeeze3A_141 = vector.extract %slice3A_140[0] : f32 from vector<1xf32>
        %broadcast_in_dim3A_142 = vector.broadcast %squeeze3A_141 : f32 to vector<16xf32>
        %mul3A_143 = arith.mulf %broadcast_in_dim3A_142, %get3A_2 : vector<16xf32>
        %add3A_144 = arith.addf %mul3A_143, %get3A_8 : vector<16xf32>
        %mul3A_145 = arith.constant 16 : i32
        %mul3A_146 = arith.muli %scan3A_63, %mul3A_145 : i32
        %add3A_147 = arith.constant 3 : i32
        %add3A_148 = arith.addi %mul3A_146, %add3A_147 : i32
        %swap3A_149 = arith.index_cast %add3A_148 : i32 to index
        %swap3A_150 = arith.constant 96 : index
        %swap3A_151 = tpu.vector_load %arg19[%swap3A_149, %swap3A_150] {strides = array<i32>} : memref<128x128xf32, #tpu.memory_space<vmem>>, vector<1x16xf32>,
        %swap3A_152 = vector.shape_cast %swap3A_151 : vector<1x16xf32> to vector<16xf32>
        %swap3A_153 = vector.shape_cast %add3A_144 : vector<16xf32> to vector<1x16xf32>
        tpu.vector_store %arg19[%swap3A_149, %swap3A_150], %swap3A_153 {strides = array<i32>} : memref<128x128xf32, #tpu.memory_space<vmem>>, vector<1x16xf32>,
        %mul3A_154 = arith.mulf %broadcast_in_dim3A_142, %get3A_5 : vector<16xf32>
        %add3A_155 = arith.addf %mul3A_154, %get3A_11 : vector<16xf32>
        %mul3A_156 = arith.constant 16 : i32
        %mul3A_157 = arith.muli %scan3A_63, %mul3A_156 : i32
        %add3A_158 = arith.constant 3 : i32
        %add3A_159 = arith.addi %mul3A_157, %add3A_158 : i32
        %swap3A_160 = arith.index_cast %add3A_159 : i32 to index
        %swap3A_161 = arith.constant 112 : index
        %swap3A_162 = tpu.vector_load %arg19[%swap3A_160, %swap3A_161] {strides = array<i32>} : memref<128x128xf32, #tpu.memory_space<vmem>>, vector<1x16xf32>,
        %swap3A_163 = vector.shape_cast %swap3A_162 : vector<1x16xf32> to vector<16xf32>
        %swap3A_164 = vector.shape_cast %add3A_155 : vector<16xf32> to vector<1x16xf32>
        tpu.vector_store %arg19[%swap3A_160, %swap3A_161], %swap3A_164 {strides = array<i32>} : memref<128x128xf32, #tpu.memory_space<vmem>>, vector<1x16xf32>,
        %slice3A_165 = vector.extract_strided_slice %get3A_68 {offsets = [4], sizes = [1], strides = [1]} : vector<16xf32> to vector<1xf32>
        %squeeze3A_166 = vector.extract %slice3A_165[0] : f32 from vector<1xf32>
        %broadcast_in_dim3A_167 = vector.broadcast %squeeze3A_166 : f32 to vector<16xf32>
        %mul3A_168 = arith.mulf %broadcast_in_dim3A_167, %get3A_2 : vector<16xf32>
        %add3A_169 = arith.addf %mul3A_168, %get3A_8 : vector<16xf32>
        %mul3A_170 = arith.constant 16 : i32
        %mul3A_171 = arith.muli %scan3A_63, %mul3A_170 : i32
        %add3A_172 = arith.constant 4 : i32
        %add3A_173 = arith.addi %mul3A_171, %add3A_172 : i32
        %swap3A_174 = arith.index_cast %add3A_173 : i32 to index
        %swap3A_175 = arith.constant 96 : index
        %swap3A_176 = tpu.vector_load %arg19[%swap3A_174, %swap3A_175] {strides = array<i32>} : memref<128x128xf32, #tpu.memory_space<vmem>>, vector<1x16xf32>,
        %swap3A_177 = vector.shape_cast %swap3A_176 : vector<1x16xf32> to vector<16xf32>
        %swap3A_178 = vector.shape_cast %add3A_169 : vector<16xf32> to vector<1x16xf32>
        tpu.vector_store %arg19[%swap3A_174, %swap3A_175], %swap3A_178 {strides = array<i32>} : memref<128x128xf32, #tpu.memory_space<vmem>>, vector<1x16xf32>,
        %mul3A_179 = arith.mulf %broadcast_in_dim3A_167, %get3A_5 : vector<16xf32>
        %add3A_180 = arith.addf %mul3A_179, %get3A_11 : vector<16xf32>
        %mul3A_181 = arith.constant 16 : i32
        %mul3A_182 = arith.muli %scan3A_63, %mul3A_181 : i32
        %add3A_183 = arith.constant 4 : i32
        %add3A_184 = arith.addi %mul3A_182, %add3A_183 : i32
        %swap3A_185 = arith.index_cast %add3A_184 : i32 to index
        %swap3A_186 = arith.constant 112 : index
        %swap3A_187 = tpu.vector_load %arg19[%swap3A_185, %swap3A_186] {strides = array<i32>} : memref<128x128xf32, #tpu.memory_space<vmem>>, vector<1x16xf32>,
        %swap3A_188 = vector.shape_cast %swap3A_187 : vector<1x16xf32> to vector<16xf32>
        %swap3A_189 = vector.shape_cast %add3A_180 : vector<16xf32> to vector<1x16xf32>
        tpu.vector_store %arg19[%swap3A_185, %swap3A_186], %swap3A_189 {strides = array<i32>} : memref<128x128xf32, #tpu.memory_space<vmem>>, vector<1x16xf32>,
        %slice3A_190 = vector.extract_strided_slice %get3A_68 {offsets = [5], sizes = [1], strides = [1]} : vector<16xf32> to vector<1xf32>
        %squeeze3A_191 = vector.extract %slice3A_190[0] : f32 from vector<1xf32>
        %broadcast_in_dim3A_192 = vector.broadcast %squeeze3A_191 : f32 to vector<16xf32>
        %mul3A_193 = arith.mulf %broadcast_in_dim3A_192, %get3A_2 : vector<16xf32>
        %add3A_194 = arith.addf %mul3A_193, %get3A_8 : vector<16xf32>
        %mul3A_195 = arith.constant 16 : i32
        %mul3A_196 = arith.muli %scan3A_63, %mul3A_195 : i32
        %add3A_197 = arith.constant 5 : i32
        %add3A_198 = arith.addi %mul3A_196, %add3A_197 : i32
        %swap3A_199 = arith.index_cast %add3A_198 : i32 to index
        %swap3A_200 = arith.constant 96 : index
        %swap3A_201 = tpu.vector_load %arg19[%swap3A_199, %swap3A_200] {strides = array<i32>} : memref<128x128xf32, #tpu.memory_space<vmem>>, vector<1x16xf32>,
        %swap3A_202 = vector.shape_cast %swap3A_201 : vector<1x16xf32> to vector<16xf32>
        %swap3A_203 = vector.shape_cast %add3A_194 : vector<16xf32> to vector<1x16xf32>
        tpu.vector_store %arg19[%swap3A_199, %swap3A_200], %swap3A_203 {strides = array<i32>} : memref<128x128xf32, #tpu.memory_space<vmem>>, vector<1x16xf32>,
        %mul3A_204 = arith.mulf %broadcast_in_dim3A_192, %get3A_5 : vector<16xf32>
        %add3A_205 = arith.addf %mul3A_204, %get3A_11 : vector<16xf32>
        %mul3A_206 = arith.constant 16 : i32
        %mul3A_207 = arith.muli %scan3A_63, %mul3A_206 : i32
        %add3A_208 = arith.constant 5 : i32
        %add3A_209 = arith.addi %mul3A_207, %add3A_208 : i32
        %swap3A_210 = arith.index_cast %add3A_209 : i32 to index
        %swap3A_211 = arith.constant 112 : index
        %swap3A_212 = tpu.vector_load %arg19[%swap3A_210, %swap3A_211] {strides = array<i32>} : memref<128x128xf32, #tpu.memory_space<vmem>>, vector<1x16xf32>,
        %swap3A_213 = vector.shape_cast %swap3A_212 : vector<1x16xf32> to vector<16xf32>
        %swap3A_214 = vector.shape_cast %add3A_205 : vector<16xf32> to vector<1x16xf32>
        tpu.vector_store %arg19[%swap3A_210, %swap3A_211], %swap3A_214 {strides = array<i32>} : memref<128x128xf32, #tpu.memory_space<vmem>>, vector<1x16xf32>,
        %slice3A_215 = vector.extract_strided_slice %get3A_68 {offsets = [6], sizes = [1], strides = [1]} : vector<16xf32> to vector<1xf32>
        %squeeze3A_216 = vector.extract %slice3A_215[0] : f32 from vector<1xf32>
        %broadcast_in_dim3A_217 = vector.broadcast %squeeze3A_216 : f32 to vector<16xf32>
        %mul3A_218 = arith.mulf %broadcast_in_dim3A_217, %get3A_2 : vector<16xf32>
        %add3A_219 = arith.addf %mul3A_218, %get3A_8 : vector<16xf32>
        %mul3A_220 = arith.constant 16 : i32
        %mul3A_221 = arith.muli %scan3A_63, %mul3A_220 : i32
        %add3A_222 = arith.constant 6 : i32
        %add3A_223 = arith.addi %mul3A_221, %add3A_222 : i32
        %swap3A_224 = arith.index_cast %add3A_223 : i32 to index
        %swap3A_225 = arith.constant 96 : index
        %swap3A_226 = tpu.vector_load %arg19[%swap3A_224, %swap3A_225] {strides = array<i32>} : memref<128x128xf32, #tpu.memory_space<vmem>>, vector<1x16xf32>,
        %swap3A_227 = vector.shape_cast %swap3A_226 : vector<1x16xf32> to vector<16xf32>
        %swap3A_228 = vector.shape_cast %add3A_219 : vector<16xf32> to vector<1x16xf32>
        tpu.vector_store %arg19[%swap3A_224, %swap3A_225], %swap3A_228 {strides = array<i32>} : memref<128x128xf32, #tpu.memory_space<vmem>>, vector<1x16xf32>,
        %mul3A_229 = arith.mulf %broadcast_in_dim3A_217, %get3A_5 : vector<16xf32>
        %add3A_230 = arith.addf %mul3A_229, %get3A_11 : vector<16xf32>
        %mul3A_231 = arith.constant 16 : i32
        %mul3A_232 = arith.muli %scan3A_63, %mul3A_231 : i32
        %add3A_233 = arith.constant 6 : i32
        %add3A_234 = arith.addi %mul3A_232, %add3A_233 : i32
        %swap3A_235 = arith.index_cast %add3A_234 : i32 to index
        %swap3A_236 = arith.constant 112 : index
        %swap3A_237 = tpu.vector_load %arg19[%swap3A_235, %swap3A_236] {strides = array<i32>} : memref<128x128xf32, #tpu.memory_space<vmem>>, vector<1x16xf32>,
        %swap3A_238 = vector.shape_cast %swap3A_237 : vector<1x16xf32> to vector<16xf32>
        %swap3A_239 = vector.shape_cast %add3A_230 : vector<16xf32> to vector<1x16xf32>
        tpu.vector_store %arg19[%swap3A_235, %swap3A_236], %swap3A_239 {strides = array<i32>} : memref<128x128xf32, #tpu.memory_space<vmem>>, vector<1x16xf32>,
        %slice3A_240 = vector.extract_strided_slice %get3A_68 {offsets = [7], sizes = [1], strides = [1]} : vector<16xf32> to vector<1xf32>
        %squeeze3A_241 = vector.extract %slice3A_240[0] : f32 from vector<1xf32>
        %broadcast_in_dim3A_242 = vector.broadcast %squeeze3A_241 : f32 to vector<16xf32>
        %mul3A_243 = arith.mulf %broadcast_in_dim3A_242, %get3A_2 : vector<16xf32>
        %add3A_244 = arith.addf %mul3A_243, %get3A_8 : vector<16xf32>
        %mul3A_245 = arith.constant 16 : i32
        %mul3A_246 = arith.muli %scan3A_63, %mul3A_245 : i32
        %add3A_247 = arith.constant 7 : i32
        %add3A_248 = arith.addi %mul3A_246, %add3A_247 : i32
        %swap3A_249 = arith.index_cast %add3A_248 : i32 to index
        %swap3A_250 = arith.constant 96 : index
        %swap3A_251 = tpu.vector_load %arg19[%swap3A_249, %swap3A_250] {strides = array<i32>} : memref<128x128xf32, #tpu.memory_space<vmem>>, vector<1x16xf32>,
        %swap3A_252 = vector.shape_cast %swap3A_251 : vector<1x16xf32> to vector<16xf32>
        %swap3A_253 = vector.shape_cast %add3A_244 : vector<16xf32> to vector<1x16xf32>
        tpu.vector_store %arg19[%swap3A_249, %swap3A_250], %swap3A_253 {strides = array<i32>} : memref<128x128xf32, #tpu.memory_space<vmem>>, vector<1x16xf32>,
        %mul3A_254 = arith.mulf %broadcast_in_dim3A_242, %get3A_5 : vector<16xf32>
        %add3A_255 = arith.addf %mul3A_254, %get3A_11 : vector<16xf32>
        %mul3A_256 = arith.constant 16 : i32
        %mul3A_257 = arith.muli %scan3A_63, %mul3A_256 : i32
        %add3A_258 = arith.constant 7 : i32
        %add3A_259 = arith.addi %mul3A_257, %add3A_258 : i32
        %swap3A_260 = arith.index_cast %add3A_259 : i32 to index
        %swap3A_261 = arith.constant 112 : index
        %swap3A_262 = tpu.vector_load %arg19[%swap3A_260, %swap3A_261] {strides = array<i32>} : memref<128x128xf32, #tpu.memory_space<vmem>>, vector<1x16xf32>,
        %swap3A_263 = vector.shape_cast %swap3A_262 : vector<1x16xf32> to vector<16xf32>
        %swap3A_264 = vector.shape_cast %add3A_255 : vector<16xf32> to vector<1x16xf32>
        tpu.vector_store %arg19[%swap3A_260, %swap3A_261], %swap3A_264 {strides = array<i32>} : memref<128x128xf32, #tpu.memory_space<vmem>>, vector<1x16xf32>,
        %slice3A_265 = vector.extract_strided_slice %get3A_68 {offsets = [8], sizes = [1], strides = [1]} : vector<16xf32> to vector<1xf32>
        %squeeze3A_266 = vector.extract %slice3A_265[0] : f32 from vector<1xf32>
        %broadcast_in_dim3A_267 = vector.broadcast %squeeze3A_266 : f32 to vector<16xf32>
        %mul3A_268 = arith.mulf %broadcast_in_dim3A_267, %get3A_2 : vector<16xf32>
        %add3A_269 = arith.addf %mul3A_268, %get3A_8 : vector<16xf32>
        %mul3A_270 = arith.constant 16 : i32
        %mul3A_271 = arith.muli %scan3A_63, %mul3A_270 : i32
        %add3A_272 = arith.constant 8 : i32
        %add3A_273 = arith.addi %mul3A_271, %add3A_272 : i32
        %swap3A_274 = arith.index_cast %add3A_273 : i32 to index
        %swap3A_275 = arith.constant 96 : index
        %swap3A_276 = tpu.vector_load %arg19[%swap3A_274, %swap3A_275] {strides = array<i32>} : memref<128x128xf32, #tpu.memory_space<vmem>>, vector<1x16xf32>,
        %swap3A_277 = vector.shape_cast %swap3A_276 : vector<1x16xf32> to vector<16xf32>
        %swap3A_278 = vector.shape_cast %add3A_269 : vector<16xf32> to vector<1x16xf32>
        tpu.vector_store %arg19[%swap3A_274, %swap3A_275], %swap3A_278 {strides = array<i32>} : memref<128x128xf32, #tpu.memory_space<vmem>>, vector<1x16xf32>,
        %mul3A_279 = arith.mulf %broadcast_in_dim3A_267, %get3A_5 : vector<16xf32>
        %add3A_280 = arith.addf %mul3A_279, %get3A_11 : vector<16xf32>
        %mul3A_281 = arith.constant 16 : i32
        %mul3A_282 = arith.muli %scan3A_63, %mul3A_281 : i32
        %add3A_283 = arith.constant 8 : i32
        %add3A_284 = arith.addi %mul3A_282, %add3A_283 : i32
        %swap3A_285 = arith.index_cast %add3A_284 : i32 to index
        %swap3A_286 = arith.constant 112 : index
        %swap3A_287 = tpu.vector_load %arg19[%swap3A_285, %swap3A_286] {strides = array<i32>} : memref<128x128xf32, #tpu.memory_space<vmem>>, vector<1x16xf32>,
        %swap3A_288 = vector.shape_cast %swap3A_287 : vector<1x16xf32> to vector<16xf32>
        %swap3A_289 = vector.shape_cast %add3A_280 : vector<16xf32> to vector<1x16xf32>
        tpu.vector_store %arg19[%swap3A_285, %swap3A_286], %swap3A_289 {strides = array<i32>} : memref<128x128xf32, #tpu.memory_space<vmem>>, vector<1x16xf32>,
        %slice3A_290 = vector.extract_strided_slice %get3A_68 {offsets = [9], sizes = [1], strides = [1]} : vector<16xf32> to vector<1xf32>
        %squeeze3A_291 = vector.extract %slice3A_290[0] : f32 from vector<1xf32>
        %broadcast_in_dim3A_292 = vector.broadcast %squeeze3A_291 : f32 to vector<16xf32>
        %mul3A_293 = arith.mulf %broadcast_in_dim3A_292, %get3A_2 : vector<16xf32>
        %add3A_294 = arith.addf %mul3A_293, %get3A_8 : vector<16xf32>
        %mul3A_295 = arith.constant 16 : i32
        %mul3A_296 = arith.muli %scan3A_63, %mul3A_295 : i32
        %add3A_297 = arith.constant 9 : i32
        %add3A_298 = arith.addi %mul3A_296, %add3A_297 : i32
        %swap3A_299 = arith.index_cast %add3A_298 : i32 to index
        %swap3A_300 = arith.constant 96 : index
        %swap3A_301 = tpu.vector_load %arg19[%swap3A_299, %swap3A_300] {strides = array<i32>} : memref<128x128xf32, #tpu.memory_space<vmem>>, vector<1x16xf32>,
        %swap3A_302 = vector.shape_cast %swap3A_301 : vector<1x16xf32> to vector<16xf32>
        %swap3A_303 = vector.shape_cast %add3A_294 : vector<16xf32> to vector<1x16xf32>
        tpu.vector_store %arg19[%swap3A_299, %swap3A_300], %swap3A_303 {strides = array<i32>} : memref<128x128xf32, #tpu.memory_space<vmem>>, vector<1x16xf32>,
        %mul3A_304 = arith.mulf %broadcast_in_dim3A_292, %get3A_5 : vector<16xf32>
        %add3A_305 = arith.addf %mul3A_304, %get3A_11 : vector<16xf32>
        %mul3A_306 = arith.constant 16 : i32
        %mul3A_307 = arith.muli %scan3A_63, %mul3A_306 : i32
        %add3A_308 = arith.constant 9 : i32
        %add3A_309 = arith.addi %mul3A_307, %add3A_308 : i32
        %swap3A_310 = arith.index_cast %add3A_309 : i32 to index
        %swap3A_311 = arith.constant 112 : index
        %swap3A_312 = tpu.vector_load %arg19[%swap3A_310, %swap3A_311] {strides = array<i32>} : memref<128x128xf32, #tpu.memory_space<vmem>>, vector<1x16xf32>,
        %swap3A_313 = vector.shape_cast %swap3A_312 : vector<1x16xf32> to vector<16xf32>
        %swap3A_314 = vector.shape_cast %add3A_305 : vector<16xf32> to vector<1x16xf32>
        tpu.vector_store %arg19[%swap3A_310, %swap3A_311], %swap3A_314 {strides = array<i32>} : memref<128x128xf32, #tpu.memory_space<vmem>>, vector<1x16xf32>,
        %slice3A_315 = vector.extract_strided_slice %get3A_68 {offsets = [10], sizes = [1], strides = [1]} : vector<16xf32> to vector<1xf32>
        %squeeze3A_316 = vector.extract %slice3A_315[0] : f32 from vector<1xf32>
        %broadcast_in_dim3A_317 = vector.broadcast %squeeze3A_316 : f32 to vector<16xf32>
        %mul3A_318 = arith.mulf %broadcast_in_dim3A_317, %get3A_2 : vector<16xf32>
        %add3A_319 = arith.addf %mul3A_318, %get3A_8 : vector<16xf32>
        %mul3A_320 = arith.constant 16 : i32
        %mul3A_321 = arith.muli %scan3A_63, %mul3A_320 : i32
        %add3A_322 = arith.constant 10 : i32
        %add3A_323 = arith.addi %mul3A_321, %add3A_322 : i32
        %swap3A_324 = arith.index_cast %add3A_323 : i32 to index
        %swap3A_325 = arith.constant 96 : index
        %swap3A_326 = tpu.vector_load %arg19[%swap3A_324, %swap3A_325] {strides = array<i32>} : memref<128x128xf32, #tpu.memory_space<vmem>>, vector<1x16xf32>,
        %swap3A_327 = vector.shape_cast %swap3A_326 : vector<1x16xf32> to vector<16xf32>
        %swap3A_328 = vector.shape_cast %add3A_319 : vector<16xf32> to vector<1x16xf32>
        tpu.vector_store %arg19[%swap3A_324, %swap3A_325], %swap3A_328 {strides = array<i32>} : memref<128x128xf32, #tpu.memory_space<vmem>>, vector<1x16xf32>,
        %mul3A_329 = arith.mulf %broadcast_in_dim3A_317, %get3A_5 : vector<16xf32>
        %add3A_330 = arith.addf %mul3A_329, %get3A_11 : vector<16xf32>
        %mul3A_331 = arith.constant 16 : i32
        %mul3A_332 = arith.muli %scan3A_63, %mul3A_331 : i32
        %add3A_333 = arith.constant 10 : i32
        %add3A_334 = arith.addi %mul3A_332, %add3A_333 : i32
        %swap3A_335 = arith.index_cast %add3A_334 : i32 to index
        %swap3A_336 = arith.constant 112 : index
        %swap3A_337 = tpu.vector_load %arg19[%swap3A_335, %swap3A_336] {strides = array<i32>} : memref<128x128xf32, #tpu.memory_space<vmem>>, vector<1x16xf32>,
        %swap3A_338 = vector.shape_cast %swap3A_337 : vector<1x16xf32> to vector<16xf32>
        %swap3A_339 = vector.shape_cast %add3A_330 : vector<16xf32> to vector<1x16xf32>
        tpu.vector_store %arg19[%swap3A_335, %swap3A_336], %swap3A_339 {strides = array<i32>} : memref<128x128xf32, #tpu.memory_space<vmem>>, vector<1x16xf32>,
        %slice3A_340 = vector.extract_strided_slice %get3A_68 {offsets = [11], sizes = [1], strides = [1]} : vector<16xf32> to vector<1xf32>
        %squeeze3A_341 = vector.extract %slice3A_340[0] : f32 from vector<1xf32>
        %broadcast_in_dim3A_342 = vector.broadcast %squeeze3A_341 : f32 to vector<16xf32>
        %mul3A_343 = arith.mulf %broadcast_in_dim3A_342, %get3A_2 : vector<16xf32>
        %add3A_344 = arith.addf %mul3A_343, %get3A_8 : vector<16xf32>
        %mul3A_345 = arith.constant 16 : i32
        %mul3A_346 = arith.muli %scan3A_63, %mul3A_345 : i32
        %add3A_347 = arith.constant 11 : i32
        %add3A_348 = arith.addi %mul3A_346, %add3A_347 : i32
        %swap3A_349 = arith.index_cast %add3A_348 : i32 to index
        %swap3A_350 = arith.constant 96 : index
        %swap3A_351 = tpu.vector_load %arg19[%swap3A_349, %swap3A_350] {strides = array<i32>} : memref<128x128xf32, #tpu.memory_space<vmem>>, vector<1x16xf32>,
        %swap3A_352 = vector.shape_cast %swap3A_351 : vector<1x16xf32> to vector<16xf32>
        %swap3A_353 = vector.shape_cast %add3A_344 : vector<16xf32> to vector<1x16xf32>
        tpu.vector_store %arg19[%swap3A_349, %swap3A_350], %swap3A_353 {strides = array<i32>} : memref<128x128xf32, #tpu.memory_space<vmem>>, vector<1x16xf32>,
        %mul3A_354 = arith.mulf %broadcast_in_dim3A_342, %get3A_5 : vector<16xf32>
        %add3A_355 = arith.addf %mul3A_354, %get3A_11 : vector<16xf32>
        %mul3A_356 = arith.constant 16 : i32
        %mul3A_357 = arith.muli %scan3A_63, %mul3A_356 : i32
        %add3A_358 = arith.constant 11 : i32
        %add3A_359 = arith.addi %mul3A_357, %add3A_358 : i32
        %swap3A_360 = arith.index_cast %add3A_359 : i32 to index
        %swap3A_361 = arith.constant 112 : index
        %swap3A_362 = tpu.vector_load %arg19[%swap3A_360, %swap3A_361] {strides = array<i32>} : memref<128x128xf32, #tpu.memory_space<vmem>>, vector<1x16xf32>,
        %swap3A_363 = vector.shape_cast %swap3A_362 : vector<1x16xf32> to vector<16xf32>
        %swap3A_364 = vector.shape_cast %add3A_355 : vector<16xf32> to vector<1x16xf32>
        tpu.vector_store %arg19[%swap3A_360, %swap3A_361], %swap3A_364 {strides = array<i32>} : memref<128x128xf32, #tpu.memory_space<vmem>>, vector<1x16xf32>,
        %slice3A_365 = vector.extract_strided_slice %get3A_68 {offsets = [12], sizes = [1], strides = [1]} : vector<16xf32> to vector<1xf32>
        %squeeze3A_366 = vector.extract %slice3A_365[0] : f32 from vector<1xf32>
        %broadcast_in_dim3A_367 = vector.broadcast %squeeze3A_366 : f32 to vector<16xf32>
        %mul3A_368 = arith.mulf %broadcast_in_dim3A_367, %get3A_2 : vector<16xf32>
        %add3A_369 = arith.addf %mul3A_368, %get3A_8 : vector<16xf32>
        %mul3A_370 = arith.constant 16 : i32
        %mul3A_371 = arith.muli %scan3A_63, %mul3A_370 : i32
        %add3A_372 = arith.constant 12 : i32
        %add3A_373 = arith.addi %mul3A_371, %add3A_372 : i32
        %swap3A_374 = arith.index_cast %add3A_373 : i32 to index
        %swap3A_375 = arith.constant 96 : index
        %swap3A_376 = tpu.vector_load %arg19[%swap3A_374, %swap3A_375] {strides = array<i32>} : memref<128x128xf32, #tpu.memory_space<vmem>>, vector<1x16xf32>,
        %swap3A_377 = vector.shape_cast %swap3A_376 : vector<1x16xf32> to vector<16xf32>
        %swap3A_378 = vector.shape_cast %add3A_369 : vector<16xf32> to vector<1x16xf32>
        tpu.vector_store %arg19[%swap3A_374, %swap3A_375], %swap3A_378 {strides = array<i32>} : memref<128x128xf32, #tpu.memory_space<vmem>>, vector<1x16xf32>,
        %mul3A_379 = arith.mulf %broadcast_in_dim3A_367, %get3A_5 : vector<16xf32>
        %add3A_380 = arith.addf %mul3A_379, %get3A_11 : vector<16xf32>
        %mul3A_381 = arith.constant 16 : i32
        %mul3A_382 = arith.muli %scan3A_63, %mul3A_381 : i32
        %add3A_383 = arith.constant 12 : i32
        %add3A_384 = arith.addi %mul3A_382, %add3A_383 : i32
        %swap3A_385 = arith.index_cast %add3A_384 : i32 to index
        %swap3A_386 = arith.constant 112 : index
        %swap3A_387 = tpu.vector_load %arg19[%swap3A_385, %swap3A_386] {strides = array<i32>} : memref<128x128xf32, #tpu.memory_space<vmem>>, vector<1x16xf32>,
        %swap3A_388 = vector.shape_cast %swap3A_387 : vector<1x16xf32> to vector<16xf32>
        %swap3A_389 = vector.shape_cast %add3A_380 : vector<16xf32> to vector<1x16xf32>
        tpu.vector_store %arg19[%swap3A_385, %swap3A_386], %swap3A_389 {strides = array<i32>} : memref<128x128xf32, #tpu.memory_space<vmem>>, vector<1x16xf32>,
        %slice3A_390 = vector.extract_strided_slice %get3A_68 {offsets = [13], sizes = [1], strides = [1]} : vector<16xf32> to vector<1xf32>
        %squeeze3A_391 = vector.extract %slice3A_390[0] : f32 from vector<1xf32>
        %broadcast_in_dim3A_392 = vector.broadcast %squeeze3A_391 : f32 to vector<16xf32>
        %mul3A_393 = arith.mulf %broadcast_in_dim3A_392, %get3A_2 : vector<16xf32>
        %add3A_394 = arith.addf %mul3A_393, %get3A_8 : vector<16xf32>
        %mul3A_395 = arith.constant 16 : i32
        %mul3A_396 = arith.muli %scan3A_63, %mul3A_395 : i32
        %add3A_397 = arith.constant 13 : i32
        %add3A_398 = arith.addi %mul3A_396, %add3A_397 : i32
        %swap3A_399 = arith.index_cast %add3A_398 : i32 to index
        %swap3A_400 = arith.constant 96 : index
        %swap3A_401 = tpu.vector_load %arg19[%swap3A_399, %swap3A_400] {strides = array<i32>} : memref<128x128xf32, #tpu.memory_space<vmem>>, vector<1x16xf32>,
        %swap3A_402 = vector.shape_cast %swap3A_401 : vector<1x16xf32> to vector<16xf32>
        %swap3A_403 = vector.shape_cast %add3A_394 : vector<16xf32> to vector<1x16xf32>
        tpu.vector_store %arg19[%swap3A_399, %swap3A_400], %swap3A_403 {strides = array<i32>} : memref<128x128xf32, #tpu.memory_space<vmem>>, vector<1x16xf32>,
        %mul3A_404 = arith.mulf %broadcast_in_dim3A_392, %get3A_5 : vector<16xf32>
        %add3A_405 = arith.addf %mul3A_404, %get3A_11 : vector<16xf32>
        %mul3A_406 = arith.constant 16 : i32
        %mul3A_407 = arith.muli %scan3A_63, %mul3A_406 : i32
        %add3A_408 = arith.constant 13 : i32
        %add3A_409 = arith.addi %mul3A_407, %add3A_408 : i32
        %swap3A_410 = arith.index_cast %add3A_409 : i32 to index
        %swap3A_411 = arith.constant 112 : index
        %swap3A_412 = tpu.vector_load %arg19[%swap3A_410, %swap3A_411] {strides = array<i32>} : memref<128x128xf32, #tpu.memory_space<vmem>>, vector<1x16xf32>,
        %swap3A_413 = vector.shape_cast %swap3A_412 : vector<1x16xf32> to vector<16xf32>
        %swap3A_414 = vector.shape_cast %add3A_405 : vector<16xf32> to vector<1x16xf32>
        tpu.vector_store %arg19[%swap3A_410, %swap3A_411], %swap3A_414 {strides = array<i32>} : memref<128x128xf32, #tpu.memory_space<vmem>>, vector<1x16xf32>,
        %slice3A_415 = vector.extract_strided_slice %get3A_68 {offsets = [14], sizes = [1], strides = [1]} : vector<16xf32> to vector<1xf32>
        %squeeze3A_416 = vector.extract %slice3A_415[0] : f32 from vector<1xf32>
        %broadcast_in_dim3A_417 = vector.broadcast %squeeze3A_416 : f32 to vector<16xf32>
        %mul3A_418 = arith.mulf %broadcast_in_dim3A_417, %get3A_2 : vector<16xf32>
        %add3A_419 = arith.addf %mul3A_418, %get3A_8 : vector<16xf32>
        %mul3A_420 = arith.constant 16 : i32
        %mul3A_421 = arith.muli %scan3A_63, %mul3A_420 : i32
        %add3A_422 = arith.constant 14 : i32
        %add3A_423 = arith.addi %mul3A_421, %add3A_422 : i32
        %swap3A_424 = arith.index_cast %add3A_423 : i32 to index
        %swap3A_425 = arith.constant 96 : index
        %swap3A_426 = tpu.vector_load %arg19[%swap3A_424, %swap3A_425] {strides = array<i32>} : memref<128x128xf32, #tpu.memory_space<vmem>>, vector<1x16xf32>,
        %swap3A_427 = vector.shape_cast %swap3A_426 : vector<1x16xf32> to vector<16xf32>
        %swap3A_428 = vector.shape_cast %add3A_419 : vector<16xf32> to vector<1x16xf32>
        tpu.vector_store %arg19[%swap3A_424, %swap3A_425], %swap3A_428 {strides = array<i32>} : memref<128x128xf32, #tpu.memory_space<vmem>>, vector<1x16xf32>,
        %mul3A_429 = arith.mulf %broadcast_in_dim3A_417, %get3A_5 : vector<16xf32>
        %add3A_430 = arith.addf %mul3A_429, %get3A_11 : vector<16xf32>
        %mul3A_431 = arith.constant 16 : i32
        %mul3A_432 = arith.muli %scan3A_63, %mul3A_431 : i32
        %add3A_433 = arith.constant 14 : i32
        %add3A_434 = arith.addi %mul3A_432, %add3A_433 : i32
        %swap3A_435 = arith.index_cast %add3A_434 : i32 to index
        %swap3A_436 = arith.constant 112 : index
        %swap3A_437 = tpu.vector_load %arg19[%swap3A_435, %swap3A_436] {strides = array<i32>} : memref<128x128xf32, #tpu.memory_space<vmem>>, vector<1x16xf32>,
        %swap3A_438 = vector.shape_cast %swap3A_437 : vector<1x16xf32> to vector<16xf32>
        %swap3A_439 = vector.shape_cast %add3A_430 : vector<16xf32> to vector<1x16xf32>
        tpu.vector_store %arg19[%swap3A_435, %swap3A_436], %swap3A_439 {strides = array<i32>} : memref<128x128xf32, #tpu.memory_space<vmem>>, vector<1x16xf32>,
        %slice3A_440 = vector.extract_strided_slice %get3A_68 {offsets = [15], sizes = [1], strides = [1]} : vector<16xf32> to vector<1xf32>
        %squeeze3A_441 = vector.extract %slice3A_440[0] : f32 from vector<1xf32>
        %broadcast_in_dim3A_442 = vector.broadcast %squeeze3A_441 : f32 to vector<16xf32>
        %mul3A_443 = arith.mulf %broadcast_in_dim3A_442, %get3A_2 : vector<16xf32>
        %add3A_444 = arith.addf %mul3A_443, %get3A_8 : vector<16xf32>
        %mul3A_445 = arith.constant 16 : i32
        %mul3A_446 = arith.muli %scan3A_63, %mul3A_445 : i32
        %add3A_447 = arith.constant 15 : i32
        %add3A_448 = arith.addi %mul3A_446, %add3A_447 : i32
        %swap3A_449 = arith.index_cast %add3A_448 : i32 to index
        %swap3A_450 = arith.constant 96 : index
        %swap3A_451 = tpu.vector_load %arg19[%swap3A_449, %swap3A_450] {strides = array<i32>} : memref<128x128xf32, #tpu.memory_space<vmem>>, vector<1x16xf32>,
        %swap3A_452 = vector.shape_cast %swap3A_451 : vector<1x16xf32> to vector<16xf32>
        %swap3A_453 = vector.shape_cast %add3A_444 : vector<16xf32> to vector<1x16xf32>
        tpu.vector_store %arg19[%swap3A_449, %swap3A_450], %swap3A_453 {strides = array<i32>} : memref<128x128xf32, #tpu.memory_space<vmem>>, vector<1x16xf32>,
        %mul3A_454 = arith.mulf %broadcast_in_dim3A_442, %get3A_5 : vector<16xf32>
        %add3A_455 = arith.addf %mul3A_454, %get3A_11 : vector<16xf32>
        %mul3A_456 = arith.constant 16 : i32
        %mul3A_457 = arith.muli %scan3A_63, %mul3A_456 : i32
        %add3A_458 = arith.constant 15 : i32
        %add3A_459 = arith.addi %mul3A_457, %add3A_458 : i32
        %swap3A_460 = arith.index_cast %add3A_459 : i32 to index
        %swap3A_461 = arith.constant 112 : index
        %swap3A_462 = tpu.vector_load %arg19[%swap3A_460, %swap3A_461] {strides = array<i32>} : memref<128x128xf32, #tpu.memory_space<vmem>>, vector<1x16xf32>,
        %swap3A_463 = vector.shape_cast %swap3A_462 : vector<1x16xf32> to vector<16xf32>
        %swap3A_464 = vector.shape_cast %add3A_455 : vector<16xf32> to vector<1x16xf32>
        tpu.vector_store %arg19[%swap3A_460, %swap3A_461], %swap3A_464 {strides = array<i32>} : memref<128x128xf32, #tpu.memory_space<vmem>>, vector<1x16xf32>,
      }
      %scan3A_42 = arith.constant 8 : i32
      %dma_wait3A = arith.constant 0 : i32
      %dma_wait3A_43 = tpu.memref_slice %arg11[%dma_wait3A] : memref<128xi32, #tpu.memory_space<vmem>> -> memref<128xi32, #tpu.memory_space<vmem>>
      %dma_wait3A_44 = arith.constant 0 : i32
      %dma_wait3A_45 = arith.constant 0 : i32
      %dma_wait3A_46 = tpu.memref_slice %arg6[%dma_wait3A_44, %dma_wait3A_45] : memref<1001472x128xf32, #tpu.memory_space<hbm>> -> memref<1001472x128xf32, #tpu.memory_space<hbm>>
      tpu.wait_indirect_dma semaphore(%arg20 : memref<!tpu.dma_semaphore, #tpu.memory_space<semaphore_mem>>) src(%dma_wait3A_46 : memref<1001472x128xf32, #tpu.memory_space<hbm>>) dst(%arg16 : memref<128x128xf32, #tpu.memory_space<vmem>>)
      %dma_wait3A_47 = arith.constant 0 : i32
      %dma_wait3A_48 = tpu.memref_slice %arg12[%dma_wait3A_47] : memref<128xi32, #tpu.memory_space<vmem>> -> memref<128xi32, #tpu.memory_space<vmem>>
      %dma_wait3A_49 = arith.constant 0 : i32
      %dma_wait3A_50 = arith.constant 0 : i32
      %dma_wait3A_51 = tpu.memref_slice %arg7[%dma_wait3A_49, %dma_wait3A_50] : memref<1001472x128xf32, #tpu.memory_space<hbm>> -> memref<1001472x128xf32, #tpu.memory_space<hbm>>
      tpu.wait_indirect_dma semaphore(%arg20 : memref<!tpu.dma_semaphore, #tpu.memory_space<semaphore_mem>>) src(%dma_wait3A_51 : memref<1001472x128xf32, #tpu.memory_space<hbm>>) dst(%arg17 : memref<128x128xf32, #tpu.memory_space<vmem>>)
      %dma_wait3A_52 = arith.constant 0 : i32
      %dma_wait3A_53 = tpu.memref_slice %arg13[%dma_wait3A_52] : memref<128xi32, #tpu.memory_space<vmem>> -> memref<128xi32, #tpu.memory_space<vmem>>
      %dma_wait3A_54 = arith.constant 0 : i32
      %dma_wait3A_55 = arith.constant 0 : i32
      %dma_wait3A_56 = tpu.memref_slice %arg8[%dma_wait3A_54, %dma_wait3A_55] : memref<1001472x128xf32, #tpu.memory_space<hbm>> -> memref<1001472x128xf32, #tpu.memory_space<hbm>>
      tpu.wait_indirect_dma semaphore(%arg20 : memref<!tpu.dma_semaphore, #tpu.memory_space<semaphore_mem>>) src(%dma_wait3A_56 : memref<1001472x128xf32, #tpu.memory_space<hbm>>) dst(%arg18 : memref<128x128xf32, #tpu.memory_space<vmem>>)
      %scan3A_57 = arith.constant 0 : i32
      %scan3A_58 = arith.constant 0 : i32
      %scan3A_59 = arith.constant 8 : i32
      %scan3A_60 = arith.addi %scan3A_58, %scan3A_59 : i32
      %scan3A_61 = arith.constant 1 : i32
      scf.for %scan3A_63 = %scan3A_58 to %scan3A_60 step %scan3A_61  : i32 {
        %mul3A_64 = arith.constant 16 : i32
        %mul3A_65 = arith.muli %scan3A_63, %mul3A_64 : i32
        %add3A_66 = arith.constant 0 : i32
        %add3A_67 = arith.addi %mul3A_65, %add3A_66 : i32
        %get3A_68 = arith.index_cast %add3A_67 : i32 to index
        %get3A_69 = arith.constant 0 : index
        %get3A_70 = tpu.vector_load %arg16[%get3A_68, %get3A_69] {strides = array<i32>} : memref<128x128xf32, #tpu.memory_space<vmem>>, vector<1x16xf32>,
        %get3A_71 = vector.shape_cast %get3A_70 : vector<1x16xf32> to vector<16xf32>
        %swap3A = arith.index_cast %add3A_67 : i32 to index
        %swap3A_72 = arith.constant 0 : index
        %swap3A_73 = tpu.vector_load %arg19[%swap3A, %swap3A_72] {strides = array<i32>} : memref<128x128xf32, #tpu.memory_space<vmem>>, vector<1x16xf32>,
        %swap3A_74 = vector.shape_cast %swap3A_73 : vector<1x16xf32> to vector<16xf32>
        %swap3A_75 = vector.shape_cast %get3A_71 : vector<16xf32> to vector<1x16xf32>
        tpu.vector_store %arg19[%swap3A, %swap3A_72], %swap3A_75 {strides = array<i32>} : memref<128x128xf32, #tpu.memory_space<vmem>>, vector<1x16xf32>,
        %get3A_76 = arith.index_cast %add3A_67 : i32 to index
        %get3A_77 = arith.constant 16 : index
        %get3A_78 = tpu.vector_load %arg16[%get3A_76, %get3A_77] {strides = array<i32>} : memref<128x128xf32, #tpu.memory_space<vmem>>, vector<1x16xf32>,
        %get3A_79 = vector.shape_cast %get3A_78 : vector<1x16xf32> to vector<16xf32>
        %swap3A_80 = arith.index_cast %add3A_67 : i32 to index
        %swap3A_81 = arith.constant 16 : index
        %swap3A_82 = tpu.vector_load %arg19[%swap3A_80, %swap3A_81] {strides = array<i32>} : memref<128x128xf32, #tpu.memory_space<vmem>>, vector<1x16xf32>,
        %swap3A_83 = vector.shape_cast %swap3A_82 : vector<1x16xf32> to vector<16xf32>
        %swap3A_84 = vector.shape_cast %get3A_79 : vector<16xf32> to vector<1x16xf32>
        tpu.vector_store %arg19[%swap3A_80, %swap3A_81], %swap3A_84 {strides = array<i32>} : memref<128x128xf32, #tpu.memory_space<vmem>>, vector<1x16xf32>,
        %get3A_85 = arith.index_cast %add3A_67 : i32 to index
        %get3A_86 = arith.constant 0 : index
        %get3A_87 = tpu.vector_load %arg17[%get3A_85, %get3A_86] {strides = array<i32>} : memref<128x128xf32, #tpu.memory_space<vmem>>, vector<1x16xf32>,
        %get3A_88 = vector.shape_cast %get3A_87 : vector<1x16xf32> to vector<16xf32>
        %swap3A_89 = arith.index_cast %add3A_67 : i32 to index
        %swap3A_90 = arith.constant 32 : index
        %swap3A_91 = tpu.vector_load %arg19[%swap3A_89, %swap3A_90] {strides = array<i32>} : memref<128x128xf32, #tpu.memory_space<vmem>>, vector<1x16xf32>,
        %swap3A_92 = vector.shape_cast %swap3A_91 : vector<1x16xf32> to vector<16xf32>
        %swap3A_93 = vector.shape_cast %get3A_88 : vector<16xf32> to vector<1x16xf32>
        tpu.vector_store %arg19[%swap3A_89, %swap3A_90], %swap3A_93 {strides = array<i32>} : memref<128x128xf32, #tpu.memory_space<vmem>>, vector<1x16xf32>,
        %get3A_94 = arith.index_cast %add3A_67 : i32 to index
        %get3A_95 = arith.constant 16 : index
        %get3A_96 = tpu.vector_load %arg17[%get3A_94, %get3A_95] {strides = array<i32>} : memref<128x128xf32, #tpu.memory_space<vmem>>, vector<1x16xf32>,
        %get3A_97 = vector.shape_cast %get3A_96 : vector<1x16xf32> to vector<16xf32>
        %swap3A_98 = arith.index_cast %add3A_67 : i32 to index
        %swap3A_99 = arith.constant 48 : index
        %swap3A_100 = tpu.vector_load %arg19[%swap3A_98, %swap3A_99] {strides = array<i32>} : memref<128x128xf32, #tpu.memory_space<vmem>>, vector<1x16xf32>,
        %swap3A_101 = vector.shape_cast %swap3A_100 : vector<1x16xf32> to vector<16xf32>
        %swap3A_102 = vector.shape_cast %get3A_97 : vector<16xf32> to vector<1x16xf32>
        tpu.vector_store %arg19[%swap3A_98, %swap3A_99], %swap3A_102 {strides = array<i32>} : memref<128x128xf32, #tpu.memory_space<vmem>>, vector<1x16xf32>,
        %get3A_103 = arith.index_cast %add3A_67 : i32 to index
        %get3A_104 = arith.constant 0 : index
        %get3A_105 = tpu.vector_load %arg18[%get3A_103, %get3A_104] {strides = array<i32>} : memref<128x128xf32, #tpu.memory_space<vmem>>, vector<1x16xf32>,
        %get3A_106 = vector.shape_cast %get3A_105 : vector<1x16xf32> to vector<16xf32>
        %swap3A_107 = arith.index_cast %add3A_67 : i32 to index
        %swap3A_108 = arith.constant 64 : index
        %swap3A_109 = tpu.vector_load %arg19[%swap3A_107, %swap3A_108] {strides = array<i32>} : memref<128x128xf32, #tpu.memory_space<vmem>>, vector<1x16xf32>,
        %swap3A_110 = vector.shape_cast %swap3A_109 : vector<1x16xf32> to vector<16xf32>
        %swap3A_111 = vector.shape_cast %get3A_106 : vector<16xf32> to vector<1x16xf32>
        tpu.vector_store %arg19[%swap3A_107, %swap3A_108], %swap3A_111 {strides = array<i32>} : memref<128x128xf32, #tpu.memory_space<vmem>>, vector<1x16xf32>,
        %get3A_112 = arith.index_cast %add3A_67 : i32 to index
        %get3A_113 = arith.constant 16 : index
        %get3A_114 = tpu.vector_load %arg18[%get3A_112, %get3A_113] {strides = array<i32>} : memref<128x128xf32, #tpu.memory_space<vmem>>, vector<1x16xf32>,
        %get3A_115 = vector.shape_cast %get3A_114 : vector<1x16xf32> to vector<16xf32>
        %swap3A_116 = arith.index_cast %add3A_67 : i32 to index
        %swap3A_117 = arith.constant 80 : index
        %swap3A_118 = tpu.vector_load %arg19[%swap3A_116, %swap3A_117] {strides = array<i32>} : memref<128x128xf32, #tpu.memory_space<vmem>>, vector<1x16xf32>,
        %swap3A_119 = vector.shape_cast %swap3A_118 : vector<1x16xf32> to vector<16xf32>
        %swap3A_120 = vector.shape_cast %get3A_115 : vector<16xf32> to vector<1x16xf32>
        tpu.vector_store %arg19[%swap3A_116, %swap3A_117], %swap3A_120 {strides = array<i32>} : memref<128x128xf32, #tpu.memory_space<vmem>>, vector<1x16xf32>,
        %mul3A_121 = arith.constant 16 : i32
        %mul3A_122 = arith.muli %scan3A_63, %mul3A_121 : i32
        %add3A_123 = arith.constant 1 : i32
        %add3A_124 = arith.addi %mul3A_122, %add3A_123 : i32
        %get3A_125 = arith.index_cast %add3A_124 : i32 to index
        %get3A_126 = arith.constant 0 : index
        %get3A_127 = tpu.vector_load %arg16[%get3A_125, %get3A_126] {strides = array<i32>} : memref<128x128xf32, #tpu.memory_space<vmem>>, vector<1x16xf32>,
        %get3A_128 = vector.shape_cast %get3A_127 : vector<1x16xf32> to vector<16xf32>
        %swap3A_129 = arith.index_cast %add3A_124 : i32 to index
        %swap3A_130 = arith.constant 0 : index
        %swap3A_131 = tpu.vector_load %arg19[%swap3A_129, %swap3A_130] {strides = array<i32>} : memref<128x128xf32, #tpu.memory_space<vmem>>, vector<1x16xf32>,
        %swap3A_132 = vector.shape_cast %swap3A_131 : vector<1x16xf32> to vector<16xf32>
        %swap3A_133 = vector.shape_cast %get3A_128 : vector<16xf32> to vector<1x16xf32>
        tpu.vector_store %arg19[%swap3A_129, %swap3A_130], %swap3A_133 {strides = array<i32>} : memref<128x128xf32, #tpu.memory_space<vmem>>, vector<1x16xf32>,
        %get3A_134 = arith.index_cast %add3A_124 : i32 to index
        %get3A_135 = arith.constant 16 : index
        %get3A_136 = tpu.vector_load %arg16[%get3A_134, %get3A_135] {strides = array<i32>} : memref<128x128xf32, #tpu.memory_space<vmem>>, vector<1x16xf32>,
        %get3A_137 = vector.shape_cast %get3A_136 : vector<1x16xf32> to vector<16xf32>
        %swap3A_138 = arith.index_cast %add3A_124 : i32 to index
        %swap3A_139 = arith.constant 16 : index
        %swap3A_140 = tpu.vector_load %arg19[%swap3A_138, %swap3A_139] {strides = array<i32>} : memref<128x128xf32, #tpu.memory_space<vmem>>, vector<1x16xf32>,
        %swap3A_141 = vector.shape_cast %swap3A_140 : vector<1x16xf32> to vector<16xf32>
        %swap3A_142 = vector.shape_cast %get3A_137 : vector<16xf32> to vector<1x16xf32>
        tpu.vector_store %arg19[%swap3A_138, %swap3A_139], %swap3A_142 {strides = array<i32>} : memref<128x128xf32, #tpu.memory_space<vmem>>, vector<1x16xf32>,
        %get3A_143 = arith.index_cast %add3A_124 : i32 to index
        %get3A_144 = arith.constant 0 : index
        %get3A_145 = tpu.vector_load %arg17[%get3A_143, %get3A_144] {strides = array<i32>} : memref<128x128xf32, #tpu.memory_space<vmem>>, vector<1x16xf32>,
        %get3A_146 = vector.shape_cast %get3A_145 : vector<1x16xf32> to vector<16xf32>
        %swap3A_147 = arith.index_cast %add3A_124 : i32 to index
        %swap3A_148 = arith.constant 32 : index
        %swap3A_149 = tpu.vector_load %arg19[%swap3A_147, %swap3A_148] {strides = array<i32>} : memref<128x128xf32, #tpu.memory_space<vmem>>, vector<1x16xf32>,
        %swap3A_150 = vector.shape_cast %swap3A_149 : vector<1x16xf32> to vector<16xf32>
        %swap3A_151 = vector.shape_cast %get3A_146 : vector<16xf32> to vector<1x16xf32>
        tpu.vector_store %arg19[%swap3A_147, %swap3A_148], %swap3A_151 {strides = array<i32>} : memref<128x128xf32, #tpu.memory_space<vmem>>, vector<1x16xf32>,
        %get3A_152 = arith.index_cast %add3A_124 : i32 to index
        %get3A_153 = arith.constant 16 : index
        %get3A_154 = tpu.vector_load %arg17[%get3A_152, %get3A_153] {strides = array<i32>} : memref<128x128xf32, #tpu.memory_space<vmem>>, vector<1x16xf32>,
        %get3A_155 = vector.shape_cast %get3A_154 : vector<1x16xf32> to vector<16xf32>
        %swap3A_156 = arith.index_cast %add3A_124 : i32 to index
        %swap3A_157 = arith.constant 48 : index
        %swap3A_158 = tpu.vector_load %arg19[%swap3A_156, %swap3A_157] {strides = array<i32>} : memref<128x128xf32, #tpu.memory_space<vmem>>, vector<1x16xf32>,
        %swap3A_159 = vector.shape_cast %swap3A_158 : vector<1x16xf32> to vector<16xf32>
        %swap3A_160 = vector.shape_cast %get3A_155 : vector<16xf32> to vector<1x16xf32>
        tpu.vector_store %arg19[%swap3A_156, %swap3A_157], %swap3A_160 {strides = array<i32>} : memref<128x128xf32, #tpu.memory_space<vmem>>, vector<1x16xf32>,
        %get3A_161 = arith.index_cast %add3A_124 : i32 to index
        %get3A_162 = arith.constant 0 : index
        %get3A_163 = tpu.vector_load %arg18[%get3A_161, %get3A_162] {strides = array<i32>} : memref<128x128xf32, #tpu.memory_space<vmem>>, vector<1x16xf32>,
        %get3A_164 = vector.shape_cast %get3A_163 : vector<1x16xf32> to vector<16xf32>
        %swap3A_165 = arith.index_cast %add3A_124 : i32 to index
        %swap3A_166 = arith.constant 64 : index
        %swap3A_167 = tpu.vector_load %arg19[%swap3A_165, %swap3A_166] {strides = array<i32>} : memref<128x128xf32, #tpu.memory_space<vmem>>, vector<1x16xf32>,
        %swap3A_168 = vector.shape_cast %swap3A_167 : vector<1x16xf32> to vector<16xf32>
        %swap3A_169 = vector.shape_cast %get3A_164 : vector<16xf32> to vector<1x16xf32>
        tpu.vector_store %arg19[%swap3A_165, %swap3A_166], %swap3A_169 {strides = array<i32>} : memref<128x128xf32, #tpu.memory_space<vmem>>, vector<1x16xf32>,
        %get3A_170 = arith.index_cast %add3A_124 : i32 to index
        %get3A_171 = arith.constant 16 : index
        %get3A_172 = tpu.vector_load %arg18[%get3A_170, %get3A_171] {strides = array<i32>} : memref<128x128xf32, #tpu.memory_space<vmem>>, vector<1x16xf32>,
        %get3A_173 = vector.shape_cast %get3A_172 : vector<1x16xf32> to vector<16xf32>
        %swap3A_174 = arith.index_cast %add3A_124 : i32 to index
        %swap3A_175 = arith.constant 80 : index
        %swap3A_176 = tpu.vector_load %arg19[%swap3A_174, %swap3A_175] {strides = array<i32>} : memref<128x128xf32, #tpu.memory_space<vmem>>, vector<1x16xf32>,
        %swap3A_177 = vector.shape_cast %swap3A_176 : vector<1x16xf32> to vector<16xf32>
        %swap3A_178 = vector.shape_cast %get3A_173 : vector<16xf32> to vector<1x16xf32>
        tpu.vector_store %arg19[%swap3A_174, %swap3A_175], %swap3A_178 {strides = array<i32>} : memref<128x128xf32, #tpu.memory_space<vmem>>, vector<1x16xf32>,
        %mul3A_179 = arith.constant 16 : i32
        %mul3A_180 = arith.muli %scan3A_63, %mul3A_179 : i32
        %add3A_181 = arith.constant 2 : i32
        %add3A_182 = arith.addi %mul3A_180, %add3A_181 : i32
        %get3A_183 = arith.index_cast %add3A_182 : i32 to index
        %get3A_184 = arith.constant 0 : index
        %get3A_185 = tpu.vector_load %arg16[%get3A_183, %get3A_184] {strides = array<i32>} : memref<128x128xf32, #tpu.memory_space<vmem>>, vector<1x16xf32>,
        %get3A_186 = vector.shape_cast %get3A_185 : vector<1x16xf32> to vector<16xf32>
        %swap3A_187 = arith.index_cast %add3A_182 : i32 to index
        %swap3A_188 = arith.constant 0 : index
        %swap3A_189 = tpu.vector_load %arg19[%swap3A_187, %swap3A_188] {strides = array<i32>} : memref<128x128xf32, #tpu.memory_space<vmem>>, vector<1x16xf32>,
        %swap3A_190 = vector.shape_cast %swap3A_189 : vector<1x16xf32> to vector<16xf32>
        %swap3A_191 = vector.shape_cast %get3A_186 : vector<16xf32> to vector<1x16xf32>
        tpu.vector_store %arg19[%swap3A_187, %swap3A_188], %swap3A_191 {strides = array<i32>} : memref<128x128xf32, #tpu.memory_space<vmem>>, vector<1x16xf32>,
        %get3A_192 = arith.index_cast %add3A_182 : i32 to index
        %get3A_193 = arith.constant 16 : index
        %get3A_194 = tpu.vector_load %arg16[%get3A_192, %get3A_193] {strides = array<i32>} : memref<128x128xf32, #tpu.memory_space<vmem>>, vector<1x16xf32>,
        %get3A_195 = vector.shape_cast %get3A_194 : vector<1x16xf32> to vector<16xf32>
        %swap3A_196 = arith.index_cast %add3A_182 : i32 to index
        %swap3A_197 = arith.constant 16 : index
        %swap3A_198 = tpu.vector_load %arg19[%swap3A_196, %swap3A_197] {strides = array<i32>} : memref<128x128xf32, #tpu.memory_space<vmem>>, vector<1x16xf32>,
        %swap3A_199 = vector.shape_cast %swap3A_198 : vector<1x16xf32> to vector<16xf32>
        %swap3A_200 = vector.shape_cast %get3A_195 : vector<16xf32> to vector<1x16xf32>
        tpu.vector_store %arg19[%swap3A_196, %swap3A_197], %swap3A_200 {strides = array<i32>} : memref<128x128xf32, #tpu.memory_space<vmem>>, vector<1x16xf32>,
        %get3A_201 = arith.index_cast %add3A_182 : i32 to index
        %get3A_202 = arith.constant 0 : index
        %get3A_203 = tpu.vector_load %arg17[%get3A_201, %get3A_202] {strides = array<i32>} : memref<128x128xf32, #tpu.memory_space<vmem>>, vector<1x16xf32>,
        %get3A_204 = vector.shape_cast %get3A_203 : vector<1x16xf32> to vector<16xf32>
        %swap3A_205 = arith.index_cast %add3A_182 : i32 to index
        %swap3A_206 = arith.constant 32 : index
        %swap3A_207 = tpu.vector_load %arg19[%swap3A_205, %swap3A_206] {strides = array<i32>} : memref<128x128xf32, #tpu.memory_space<vmem>>, vector<1x16xf32>,
        %swap3A_208 = vector.shape_cast %swap3A_207 : vector<1x16xf32> to vector<16xf32>
        %swap3A_209 = vector.shape_cast %get3A_204 : vector<16xf32> to vector<1x16xf32>
        tpu.vector_store %arg19[%swap3A_205, %swap3A_206], %swap3A_209 {strides = array<i32>} : memref<128x128xf32, #tpu.memory_space<vmem>>, vector<1x16xf32>,
        %get3A_210 = arith.index_cast %add3A_182 : i32 to index
        %get3A_211 = arith.constant 16 : index
        %get3A_212 = tpu.vector_load %arg17[%get3A_210, %get3A_211] {strides = array<i32>} : memref<128x128xf32, #tpu.memory_space<vmem>>, vector<1x16xf32>,
        %get3A_213 = vector.shape_cast %get3A_212 : vector<1x16xf32> to vector<16xf32>
        %swap3A_214 = arith.index_cast %add3A_182 : i32 to index
        %swap3A_215 = arith.constant 48 : index
        %swap3A_216 = tpu.vector_load %arg19[%swap3A_214, %swap3A_215] {strides = array<i32>} : memref<128x128xf32, #tpu.memory_space<vmem>>, vector<1x16xf32>,
        %swap3A_217 = vector.shape_cast %swap3A_216 : vector<1x16xf32> to vector<16xf32>
        %swap3A_218 = vector.shape_cast %get3A_213 : vector<16xf32> to vector<1x16xf32>
        tpu.vector_store %arg19[%swap3A_214, %swap3A_215], %swap3A_218 {strides = array<i32>} : memref<128x128xf32, #tpu.memory_space<vmem>>, vector<1x16xf32>,
        %get3A_219 = arith.index_cast %add3A_182 : i32 to index
        %get3A_220 = arith.constant 0 : index
        %get3A_221 = tpu.vector_load %arg18[%get3A_219, %get3A_220] {strides = array<i32>} : memref<128x128xf32, #tpu.memory_space<vmem>>, vector<1x16xf32>,
        %get3A_222 = vector.shape_cast %get3A_221 : vector<1x16xf32> to vector<16xf32>
        %swap3A_223 = arith.index_cast %add3A_182 : i32 to index
        %swap3A_224 = arith.constant 64 : index
        %swap3A_225 = tpu.vector_load %arg19[%swap3A_223, %swap3A_224] {strides = array<i32>} : memref<128x128xf32, #tpu.memory_space<vmem>>, vector<1x16xf32>,
        %swap3A_226 = vector.shape_cast %swap3A_225 : vector<1x16xf32> to vector<16xf32>
        %swap3A_227 = vector.shape_cast %get3A_222 : vector<16xf32> to vector<1x16xf32>
        tpu.vector_store %arg19[%swap3A_223, %swap3A_224], %swap3A_227 {strides = array<i32>} : memref<128x128xf32, #tpu.memory_space<vmem>>, vector<1x16xf32>,
        %get3A_228 = arith.index_cast %add3A_182 : i32 to index
        %get3A_229 = arith.constant 16 : index
        %get3A_230 = tpu.vector_load %arg18[%get3A_228, %get3A_229] {strides = array<i32>} : memref<128x128xf32, #tpu.memory_space<vmem>>, vector<1x16xf32>,
        %get3A_231 = vector.shape_cast %get3A_230 : vector<1x16xf32> to vector<16xf32>
        %swap3A_232 = arith.index_cast %add3A_182 : i32 to index
        %swap3A_233 = arith.constant 80 : index
        %swap3A_234 = tpu.vector_load %arg19[%swap3A_232, %swap3A_233] {strides = array<i32>} : memref<128x128xf32, #tpu.memory_space<vmem>>, vector<1x16xf32>,
        %swap3A_235 = vector.shape_cast %swap3A_234 : vector<1x16xf32> to vector<16xf32>
        %swap3A_236 = vector.shape_cast %get3A_231 : vector<16xf32> to vector<1x16xf32>
        tpu.vector_store %arg19[%swap3A_232, %swap3A_233], %swap3A_236 {strides = array<i32>} : memref<128x128xf32, #tpu.memory_space<vmem>>, vector<1x16xf32>,
        %mul3A_237 = arith.constant 16 : i32
        %mul3A_238 = arith.muli %scan3A_63, %mul3A_237 : i32
        %add3A_239 = arith.constant 3 : i32
        %add3A_240 = arith.addi %mul3A_238, %add3A_239 : i32
        %get3A_241 = arith.index_cast %add3A_240 : i32 to index
        %get3A_242 = arith.constant 0 : index
        %get3A_243 = tpu.vector_load %arg16[%get3A_241, %get3A_242] {strides = array<i32>} : memref<128x128xf32, #tpu.memory_space<vmem>>, vector<1x16xf32>,
        %get3A_244 = vector.shape_cast %get3A_243 : vector<1x16xf32> to vector<16xf32>
        %swap3A_245 = arith.index_cast %add3A_240 : i32 to index
        %swap3A_246 = arith.constant 0 : index
        %swap3A_247 = tpu.vector_load %arg19[%swap3A_245, %swap3A_246] {strides = array<i32>} : memref<128x128xf32, #tpu.memory_space<vmem>>, vector<1x16xf32>,
        %swap3A_248 = vector.shape_cast %swap3A_247 : vector<1x16xf32> to vector<16xf32>
        %swap3A_249 = vector.shape_cast %get3A_244 : vector<16xf32> to vector<1x16xf32>
        tpu.vector_store %arg19[%swap3A_245, %swap3A_246], %swap3A_249 {strides = array<i32>} : memref<128x128xf32, #tpu.memory_space<vmem>>, vector<1x16xf32>,
        %get3A_250 = arith.index_cast %add3A_240 : i32 to index
        %get3A_251 = arith.constant 16 : index
        %get3A_252 = tpu.vector_load %arg16[%get3A_250, %get3A_251] {strides = array<i32>} : memref<128x128xf32, #tpu.memory_space<vmem>>, vector<1x16xf32>,
        %get3A_253 = vector.shape_cast %get3A_252 : vector<1x16xf32> to vector<16xf32>
        %swap3A_254 = arith.index_cast %add3A_240 : i32 to index
        %swap3A_255 = arith.constant 16 : index
        %swap3A_256 = tpu.vector_load %arg19[%swap3A_254, %swap3A_255] {strides = array<i32>} : memref<128x128xf32, #tpu.memory_space<vmem>>, vector<1x16xf32>,
        %swap3A_257 = vector.shape_cast %swap3A_256 : vector<1x16xf32> to vector<16xf32>
        %swap3A_258 = vector.shape_cast %get3A_253 : vector<16xf32> to vector<1x16xf32>
        tpu.vector_store %arg19[%swap3A_254, %swap3A_255], %swap3A_258 {strides = array<i32>} : memref<128x128xf32, #tpu.memory_space<vmem>>, vector<1x16xf32>,
        %get3A_259 = arith.index_cast %add3A_240 : i32 to index
        %get3A_260 = arith.constant 0 : index
        %get3A_261 = tpu.vector_load %arg17[%get3A_259, %get3A_260] {strides = array<i32>} : memref<128x128xf32, #tpu.memory_space<vmem>>, vector<1x16xf32>,
        %get3A_262 = vector.shape_cast %get3A_261 : vector<1x16xf32> to vector<16xf32>
        %swap3A_263 = arith.index_cast %add3A_240 : i32 to index
        %swap3A_264 = arith.constant 32 : index
        %swap3A_265 = tpu.vector_load %arg19[%swap3A_263, %swap3A_264] {strides = array<i32>} : memref<128x128xf32, #tpu.memory_space<vmem>>, vector<1x16xf32>,
        %swap3A_266 = vector.shape_cast %swap3A_265 : vector<1x16xf32> to vector<16xf32>
        %swap3A_267 = vector.shape_cast %get3A_262 : vector<16xf32> to vector<1x16xf32>
        tpu.vector_store %arg19[%swap3A_263, %swap3A_264], %swap3A_267 {strides = array<i32>} : memref<128x128xf32, #tpu.memory_space<vmem>>, vector<1x16xf32>,
        %get3A_268 = arith.index_cast %add3A_240 : i32 to index
        %get3A_269 = arith.constant 16 : index
        %get3A_270 = tpu.vector_load %arg17[%get3A_268, %get3A_269] {strides = array<i32>} : memref<128x128xf32, #tpu.memory_space<vmem>>, vector<1x16xf32>,
        %get3A_271 = vector.shape_cast %get3A_270 : vector<1x16xf32> to vector<16xf32>
        %swap3A_272 = arith.index_cast %add3A_240 : i32 to index
        %swap3A_273 = arith.constant 48 : index
        %swap3A_274 = tpu.vector_load %arg19[%swap3A_272, %swap3A_273] {strides = array<i32>} : memref<128x128xf32, #tpu.memory_space<vmem>>, vector<1x16xf32>,
        %swap3A_275 = vector.shape_cast %swap3A_274 : vector<1x16xf32> to vector<16xf32>
        %swap3A_276 = vector.shape_cast %get3A_271 : vector<16xf32> to vector<1x16xf32>
        tpu.vector_store %arg19[%swap3A_272, %swap3A_273], %swap3A_276 {strides = array<i32>} : memref<128x128xf32, #tpu.memory_space<vmem>>, vector<1x16xf32>,
        %get3A_277 = arith.index_cast %add3A_240 : i32 to index
        %get3A_278 = arith.constant 0 : index
        %get3A_279 = tpu.vector_load %arg18[%get3A_277, %get3A_278] {strides = array<i32>} : memref<128x128xf32, #tpu.memory_space<vmem>>, vector<1x16xf32>,
        %get3A_280 = vector.shape_cast %get3A_279 : vector<1x16xf32> to vector<16xf32>
        %swap3A_281 = arith.index_cast %add3A_240 : i32 to index
        %swap3A_282 = arith.constant 64 : index
        %swap3A_283 = tpu.vector_load %arg19[%swap3A_281, %swap3A_282] {strides = array<i32>} : memref<128x128xf32, #tpu.memory_space<vmem>>, vector<1x16xf32>,
        %swap3A_284 = vector.shape_cast %swap3A_283 : vector<1x16xf32> to vector<16xf32>
        %swap3A_285 = vector.shape_cast %get3A_280 : vector<16xf32> to vector<1x16xf32>
        tpu.vector_store %arg19[%swap3A_281, %swap3A_282], %swap3A_285 {strides = array<i32>} : memref<128x128xf32, #tpu.memory_space<vmem>>, vector<1x16xf32>,
        %get3A_286 = arith.index_cast %add3A_240 : i32 to index
        %get3A_287 = arith.constant 16 : index
        %get3A_288 = tpu.vector_load %arg18[%get3A_286, %get3A_287] {strides = array<i32>} : memref<128x128xf32, #tpu.memory_space<vmem>>, vector<1x16xf32>,
        %get3A_289 = vector.shape_cast %get3A_288 : vector<1x16xf32> to vector<16xf32>
        %swap3A_290 = arith.index_cast %add3A_240 : i32 to index
        %swap3A_291 = arith.constant 80 : index
        %swap3A_292 = tpu.vector_load %arg19[%swap3A_290, %swap3A_291] {strides = array<i32>} : memref<128x128xf32, #tpu.memory_space<vmem>>, vector<1x16xf32>,
        %swap3A_293 = vector.shape_cast %swap3A_292 : vector<1x16xf32> to vector<16xf32>
        %swap3A_294 = vector.shape_cast %get3A_289 : vector<16xf32> to vector<1x16xf32>
        tpu.vector_store %arg19[%swap3A_290, %swap3A_291], %swap3A_294 {strides = array<i32>} : memref<128x128xf32, #tpu.memory_space<vmem>>, vector<1x16xf32>,
        %mul3A_295 = arith.constant 16 : i32
        %mul3A_296 = arith.muli %scan3A_63, %mul3A_295 : i32
        %add3A_297 = arith.constant 4 : i32
        %add3A_298 = arith.addi %mul3A_296, %add3A_297 : i32
        %get3A_299 = arith.index_cast %add3A_298 : i32 to index
        %get3A_300 = arith.constant 0 : index
        %get3A_301 = tpu.vector_load %arg16[%get3A_299, %get3A_300] {strides = array<i32>} : memref<128x128xf32, #tpu.memory_space<vmem>>, vector<1x16xf32>,
        %get3A_302 = vector.shape_cast %get3A_301 : vector<1x16xf32> to vector<16xf32>
        %swap3A_303 = arith.index_cast %add3A_298 : i32 to index
        %swap3A_304 = arith.constant 0 : index
        %swap3A_305 = tpu.vector_load %arg19[%swap3A_303, %swap3A_304] {strides = array<i32>} : memref<128x128xf32, #tpu.memory_space<vmem>>, vector<1x16xf32>,
        %swap3A_306 = vector.shape_cast %swap3A_305 : vector<1x16xf32> to vector<16xf32>
        %swap3A_307 = vector.shape_cast %get3A_302 : vector<16xf32> to vector<1x16xf32>
        tpu.vector_store %arg19[%swap3A_303, %swap3A_304], %swap3A_307 {strides = array<i32>} : memref<128x128xf32, #tpu.memory_space<vmem>>, vector<1x16xf32>,
        %get3A_308 = arith.index_cast %add3A_298 : i32 to index
        %get3A_309 = arith.constant 16 : index
        %get3A_310 = tpu.vector_load %arg16[%get3A_308, %get3A_309] {strides = array<i32>} : memref<128x128xf32, #tpu.memory_space<vmem>>, vector<1x16xf32>,
        %get3A_311 = vector.shape_cast %get3A_310 : vector<1x16xf32> to vector<16xf32>
        %swap3A_312 = arith.index_cast %add3A_298 : i32 to index
        %swap3A_313 = arith.constant 16 : index
        %swap3A_314 = tpu.vector_load %arg19[%swap3A_312, %swap3A_313] {strides = array<i32>} : memref<128x128xf32, #tpu.memory_space<vmem>>, vector<1x16xf32>,
        %swap3A_315 = vector.shape_cast %swap3A_314 : vector<1x16xf32> to vector<16xf32>
        %swap3A_316 = vector.shape_cast %get3A_311 : vector<16xf32> to vector<1x16xf32>
        tpu.vector_store %arg19[%swap3A_312, %swap3A_313], %swap3A_316 {strides = array<i32>} : memref<128x128xf32, #tpu.memory_space<vmem>>, vector<1x16xf32>,
        %get3A_317 = arith.index_cast %add3A_298 : i32 to index
        %get3A_318 = arith.constant 0 : index
        %get3A_319 = tpu.vector_load %arg17[%get3A_317, %get3A_318] {strides = array<i32>} : memref<128x128xf32, #tpu.memory_space<vmem>>, vector<1x16xf32>,
        %get3A_320 = vector.shape_cast %get3A_319 : vector<1x16xf32> to vector<16xf32>
        %swap3A_321 = arith.index_cast %add3A_298 : i32 to index
        %swap3A_322 = arith.constant 32 : index
        %swap3A_323 = tpu.vector_load %arg19[%swap3A_321, %swap3A_322] {strides = array<i32>} : memref<128x128xf32, #tpu.memory_space<vmem>>, vector<1x16xf32>,
        %swap3A_324 = vector.shape_cast %swap3A_323 : vector<1x16xf32> to vector<16xf32>
        %swap3A_325 = vector.shape_cast %get3A_320 : vector<16xf32> to vector<1x16xf32>
        tpu.vector_store %arg19[%swap3A_321, %swap3A_322], %swap3A_325 {strides = array<i32>} : memref<128x128xf32, #tpu.memory_space<vmem>>, vector<1x16xf32>,
        %get3A_326 = arith.index_cast %add3A_298 : i32 to index
        %get3A_327 = arith.constant 16 : index
        %get3A_328 = tpu.vector_load %arg17[%get3A_326, %get3A_327] {strides = array<i32>} : memref<128x128xf32, #tpu.memory_space<vmem>>, vector<1x16xf32>,
        %get3A_329 = vector.shape_cast %get3A_328 : vector<1x16xf32> to vector<16xf32>
        %swap3A_330 = arith.index_cast %add3A_298 : i32 to index
        %swap3A_331 = arith.constant 48 : index
        %swap3A_332 = tpu.vector_load %arg19[%swap3A_330, %swap3A_331] {strides = array<i32>} : memref<128x128xf32, #tpu.memory_space<vmem>>, vector<1x16xf32>,
        %swap3A_333 = vector.shape_cast %swap3A_332 : vector<1x16xf32> to vector<16xf32>
        %swap3A_334 = vector.shape_cast %get3A_329 : vector<16xf32> to vector<1x16xf32>
        tpu.vector_store %arg19[%swap3A_330, %swap3A_331], %swap3A_334 {strides = array<i32>} : memref<128x128xf32, #tpu.memory_space<vmem>>, vector<1x16xf32>,
        %get3A_335 = arith.index_cast %add3A_298 : i32 to index
        %get3A_336 = arith.constant 0 : index
        %get3A_337 = tpu.vector_load %arg18[%get3A_335, %get3A_336] {strides = array<i32>} : memref<128x128xf32, #tpu.memory_space<vmem>>, vector<1x16xf32>,
        %get3A_338 = vector.shape_cast %get3A_337 : vector<1x16xf32> to vector<16xf32>
        %swap3A_339 = arith.index_cast %add3A_298 : i32 to index
        %swap3A_340 = arith.constant 64 : index
        %swap3A_341 = tpu.vector_load %arg19[%swap3A_339, %swap3A_340] {strides = array<i32>} : memref<128x128xf32, #tpu.memory_space<vmem>>, vector<1x16xf32>,
        %swap3A_342 = vector.shape_cast %swap3A_341 : vector<1x16xf32> to vector<16xf32>
        %swap3A_343 = vector.shape_cast %get3A_338 : vector<16xf32> to vector<1x16xf32>
        tpu.vector_store %arg19[%swap3A_339, %swap3A_340], %swap3A_343 {strides = array<i32>} : memref<128x128xf32, #tpu.memory_space<vmem>>, vector<1x16xf32>,
        %get3A_344 = arith.index_cast %add3A_298 : i32 to index
        %get3A_345 = arith.constant 16 : index
        %get3A_346 = tpu.vector_load %arg18[%get3A_344, %get3A_345] {strides = array<i32>} : memref<128x128xf32, #tpu.memory_space<vmem>>, vector<1x16xf32>,
        %get3A_347 = vector.shape_cast %get3A_346 : vector<1x16xf32> to vector<16xf32>
        %swap3A_348 = arith.index_cast %add3A_298 : i32 to index
        %swap3A_349 = arith.constant 80 : index
        %swap3A_350 = tpu.vector_load %arg19[%swap3A_348, %swap3A_349] {strides = array<i32>} : memref<128x128xf32, #tpu.memory_space<vmem>>, vector<1x16xf32>,
        %swap3A_351 = vector.shape_cast %swap3A_350 : vector<1x16xf32> to vector<16xf32>
        %swap3A_352 = vector.shape_cast %get3A_347 : vector<16xf32> to vector<1x16xf32>
        tpu.vector_store %arg19[%swap3A_348, %swap3A_349], %swap3A_352 {strides = array<i32>} : memref<128x128xf32, #tpu.memory_space<vmem>>, vector<1x16xf32>,
        %mul3A_353 = arith.constant 16 : i32
        %mul3A_354 = arith.muli %scan3A_63, %mul3A_353 : i32
        %add3A_355 = arith.constant 5 : i32
        %add3A_356 = arith.addi %mul3A_354, %add3A_355 : i32
        %get3A_357 = arith.index_cast %add3A_356 : i32 to index
        %get3A_358 = arith.constant 0 : index
        %get3A_359 = tpu.vector_load %arg16[%get3A_357, %get3A_358] {strides = array<i32>} : memref<128x128xf32, #tpu.memory_space<vmem>>, vector<1x16xf32>,
        %get3A_360 = vector.shape_cast %get3A_359 : vector<1x16xf32> to vector<16xf32>
        %swap3A_361 = arith.index_cast %add3A_356 : i32 to index
        %swap3A_362 = arith.constant 0 : index
        %swap3A_363 = tpu.vector_load %arg19[%swap3A_361, %swap3A_362] {strides = array<i32>} : memref<128x128xf32, #tpu.memory_space<vmem>>, vector<1x16xf32>,
        %swap3A_364 = vector.shape_cast %swap3A_363 : vector<1x16xf32> to vector<16xf32>
        %swap3A_365 = vector.shape_cast %get3A_360 : vector<16xf32> to vector<1x16xf32>
        tpu.vector_store %arg19[%swap3A_361, %swap3A_362], %swap3A_365 {strides = array<i32>} : memref<128x128xf32, #tpu.memory_space<vmem>>, vector<1x16xf32>,
        %get3A_366 = arith.index_cast %add3A_356 : i32 to index
        %get3A_367 = arith.constant 16 : index
        %get3A_368 = tpu.vector_load %arg16[%get3A_366, %get3A_367] {strides = array<i32>} : memref<128x128xf32, #tpu.memory_space<vmem>>, vector<1x16xf32>,
        %get3A_369 = vector.shape_cast %get3A_368 : vector<1x16xf32> to vector<16xf32>
        %swap3A_370 = arith.index_cast %add3A_356 : i32 to index
        %swap3A_371 = arith.constant 16 : index
        %swap3A_372 = tpu.vector_load %arg19[%swap3A_370, %swap3A_371] {strides = array<i32>} : memref<128x128xf32, #tpu.memory_space<vmem>>, vector<1x16xf32>,
        %swap3A_373 = vector.shape_cast %swap3A_372 : vector<1x16xf32> to vector<16xf32>
        %swap3A_374 = vector.shape_cast %get3A_369 : vector<16xf32> to vector<1x16xf32>
        tpu.vector_store %arg19[%swap3A_370, %swap3A_371], %swap3A_374 {strides = array<i32>} : memref<128x128xf32, #tpu.memory_space<vmem>>, vector<1x16xf32>,
        %get3A_375 = arith.index_cast %add3A_356 : i32 to index
        %get3A_376 = arith.constant 0 : index
        %get3A_377 = tpu.vector_load %arg17[%get3A_375, %get3A_376] {strides = array<i32>} : memref<128x128xf32, #tpu.memory_space<vmem>>, vector<1x16xf32>,
        %get3A_378 = vector.shape_cast %get3A_377 : vector<1x16xf32> to vector<16xf32>
        %swap3A_379 = arith.index_cast %add3A_356 : i32 to index
        %swap3A_380 = arith.constant 32 : index
        %swap3A_381 = tpu.vector_load %arg19[%swap3A_379, %swap3A_380] {strides = array<i32>} : memref<128x128xf32, #tpu.memory_space<vmem>>, vector<1x16xf32>,
        %swap3A_382 = vector.shape_cast %swap3A_381 : vector<1x16xf32> to vector<16xf32>
        %swap3A_383 = vector.shape_cast %get3A_378 : vector<16xf32> to vector<1x16xf32>
        tpu.vector_store %arg19[%swap3A_379, %swap3A_380], %swap3A_383 {strides = array<i32>} : memref<128x128xf32, #tpu.memory_space<vmem>>, vector<1x16xf32>,
        %get3A_384 = arith.index_cast %add3A_356 : i32 to index
        %get3A_385 = arith.constant 16 : index
        %get3A_386 = tpu.vector_load %arg17[%get3A_384, %get3A_385] {strides = array<i32>} : memref<128x128xf32, #tpu.memory_space<vmem>>, vector<1x16xf32>,
        %get3A_387 = vector.shape_cast %get3A_386 : vector<1x16xf32> to vector<16xf32>
        %swap3A_388 = arith.index_cast %add3A_356 : i32 to index
        %swap3A_389 = arith.constant 48 : index
        %swap3A_390 = tpu.vector_load %arg19[%swap3A_388, %swap3A_389] {strides = array<i32>} : memref<128x128xf32, #tpu.memory_space<vmem>>, vector<1x16xf32>,
        %swap3A_391 = vector.shape_cast %swap3A_390 : vector<1x16xf32> to vector<16xf32>
        %swap3A_392 = vector.shape_cast %get3A_387 : vector<16xf32> to vector<1x16xf32>
        tpu.vector_store %arg19[%swap3A_388, %swap3A_389], %swap3A_392 {strides = array<i32>} : memref<128x128xf32, #tpu.memory_space<vmem>>, vector<1x16xf32>,
        %get3A_393 = arith.index_cast %add3A_356 : i32 to index
        %get3A_394 = arith.constant 0 : index
        %get3A_395 = tpu.vector_load %arg18[%get3A_393, %get3A_394] {strides = array<i32>} : memref<128x128xf32, #tpu.memory_space<vmem>>, vector<1x16xf32>,
        %get3A_396 = vector.shape_cast %get3A_395 : vector<1x16xf32> to vector<16xf32>
        %swap3A_397 = arith.index_cast %add3A_356 : i32 to index
        %swap3A_398 = arith.constant 64 : index
        %swap3A_399 = tpu.vector_load %arg19[%swap3A_397, %swap3A_398] {strides = array<i32>} : memref<128x128xf32, #tpu.memory_space<vmem>>, vector<1x16xf32>,
        %swap3A_400 = vector.shape_cast %swap3A_399 : vector<1x16xf32> to vector<16xf32>
        %swap3A_401 = vector.shape_cast %get3A_396 : vector<16xf32> to vector<1x16xf32>
        tpu.vector_store %arg19[%swap3A_397, %swap3A_398], %swap3A_401 {strides = array<i32>} : memref<128x128xf32, #tpu.memory_space<vmem>>, vector<1x16xf32>,
        %get3A_402 = arith.index_cast %add3A_356 : i32 to index
        %get3A_403 = arith.constant 16 : index
        %get3A_404 = tpu.vector_load %arg18[%get3A_402, %get3A_403] {strides = array<i32>} : memref<128x128xf32, #tpu.memory_space<vmem>>, vector<1x16xf32>,
        %get3A_405 = vector.shape_cast %get3A_404 : vector<1x16xf32> to vector<16xf32>
        %swap3A_406 = arith.index_cast %add3A_356 : i32 to index
        %swap3A_407 = arith.constant 80 : index
        %swap3A_408 = tpu.vector_load %arg19[%swap3A_406, %swap3A_407] {strides = array<i32>} : memref<128x128xf32, #tpu.memory_space<vmem>>, vector<1x16xf32>,
        %swap3A_409 = vector.shape_cast %swap3A_408 : vector<1x16xf32> to vector<16xf32>
        %swap3A_410 = vector.shape_cast %get3A_405 : vector<16xf32> to vector<1x16xf32>
        tpu.vector_store %arg19[%swap3A_406, %swap3A_407], %swap3A_410 {strides = array<i32>} : memref<128x128xf32, #tpu.memory_space<vmem>>, vector<1x16xf32>,
        %mul3A_411 = arith.constant 16 : i32
        %mul3A_412 = arith.muli %scan3A_63, %mul3A_411 : i32
        %add3A_413 = arith.constant 6 : i32
        %add3A_414 = arith.addi %mul3A_412, %add3A_413 : i32
        %get3A_415 = arith.index_cast %add3A_414 : i32 to index
        %get3A_416 = arith.constant 0 : index
        %get3A_417 = tpu.vector_load %arg16[%get3A_415, %get3A_416] {strides = array<i32>} : memref<128x128xf32, #tpu.memory_space<vmem>>, vector<1x16xf32>,
        %get3A_418 = vector.shape_cast %get3A_417 : vector<1x16xf32> to vector<16xf32>
        %swap3A_419 = arith.index_cast %add3A_414 : i32 to index
        %swap3A_420 = arith.constant 0 : index
        %swap3A_421 = tpu.vector_load %arg19[%swap3A_419, %swap3A_420] {strides = array<i32>} : memref<128x128xf32, #tpu.memory_space<vmem>>, vector<1x16xf32>,
        %swap3A_422 = vector.shape_cast %swap3A_421 : vector<1x16xf32> to vector<16xf32>
        %swap3A_423 = vector.shape_cast %get3A_418 : vector<16xf32> to vector<1x16xf32>
        tpu.vector_store %arg19[%swap3A_419, %swap3A_420], %swap3A_423 {strides = array<i32>} : memref<128x128xf32, #tpu.memory_space<vmem>>, vector<1x16xf32>,
        %get3A_424 = arith.index_cast %add3A_414 : i32 to index
        %get3A_425 = arith.constant 16 : index
        %get3A_426 = tpu.vector_load %arg16[%get3A_424, %get3A_425] {strides = array<i32>} : memref<128x128xf32, #tpu.memory_space<vmem>>, vector<1x16xf32>,
        %get3A_427 = vector.shape_cast %get3A_426 : vector<1x16xf32> to vector<16xf32>
        %swap3A_428 = arith.index_cast %add3A_414 : i32 to index
        %swap3A_429 = arith.constant 16 : index
        %swap3A_430 = tpu.vector_load %arg19[%swap3A_428, %swap3A_429] {strides = array<i32>} : memref<128x128xf32, #tpu.memory_space<vmem>>, vector<1x16xf32>,
        %swap3A_431 = vector.shape_cast %swap3A_430 : vector<1x16xf32> to vector<16xf32>
        %swap3A_432 = vector.shape_cast %get3A_427 : vector<16xf32> to vector<1x16xf32>
        tpu.vector_store %arg19[%swap3A_428, %swap3A_429], %swap3A_432 {strides = array<i32>} : memref<128x128xf32, #tpu.memory_space<vmem>>, vector<1x16xf32>,
        %get3A_433 = arith.index_cast %add3A_414 : i32 to index
        %get3A_434 = arith.constant 0 : index
        %get3A_435 = tpu.vector_load %arg17[%get3A_433, %get3A_434] {strides = array<i32>} : memref<128x128xf32, #tpu.memory_space<vmem>>, vector<1x16xf32>,
        %get3A_436 = vector.shape_cast %get3A_435 : vector<1x16xf32> to vector<16xf32>
        %swap3A_437 = arith.index_cast %add3A_414 : i32 to index
        %swap3A_438 = arith.constant 32 : index
        %swap3A_439 = tpu.vector_load %arg19[%swap3A_437, %swap3A_438] {strides = array<i32>} : memref<128x128xf32, #tpu.memory_space<vmem>>, vector<1x16xf32>,
        %swap3A_440 = vector.shape_cast %swap3A_439 : vector<1x16xf32> to vector<16xf32>
        %swap3A_441 = vector.shape_cast %get3A_436 : vector<16xf32> to vector<1x16xf32>
        tpu.vector_store %arg19[%swap3A_437, %swap3A_438], %swap3A_441 {strides = array<i32>} : memref<128x128xf32, #tpu.memory_space<vmem>>, vector<1x16xf32>,
        %get3A_442 = arith.index_cast %add3A_414 : i32 to index
        %get3A_443 = arith.constant 16 : index
        %get3A_444 = tpu.vector_load %arg17[%get3A_442, %get3A_443] {strides = array<i32>} : memref<128x128xf32, #tpu.memory_space<vmem>>, vector<1x16xf32>,
        %get3A_445 = vector.shape_cast %get3A_444 : vector<1x16xf32> to vector<16xf32>
        %swap3A_446 = arith.index_cast %add3A_414 : i32 to index
        %swap3A_447 = arith.constant 48 : index
        %swap3A_448 = tpu.vector_load %arg19[%swap3A_446, %swap3A_447] {strides = array<i32>} : memref<128x128xf32, #tpu.memory_space<vmem>>, vector<1x16xf32>,
        %swap3A_449 = vector.shape_cast %swap3A_448 : vector<1x16xf32> to vector<16xf32>
        %swap3A_450 = vector.shape_cast %get3A_445 : vector<16xf32> to vector<1x16xf32>
        tpu.vector_store %arg19[%swap3A_446, %swap3A_447], %swap3A_450 {strides = array<i32>} : memref<128x128xf32, #tpu.memory_space<vmem>>, vector<1x16xf32>,
        %get3A_451 = arith.index_cast %add3A_414 : i32 to index
        %get3A_452 = arith.constant 0 : index
        %get3A_453 = tpu.vector_load %arg18[%get3A_451, %get3A_452] {strides = array<i32>} : memref<128x128xf32, #tpu.memory_space<vmem>>, vector<1x16xf32>,
        %get3A_454 = vector.shape_cast %get3A_453 : vector<1x16xf32> to vector<16xf32>
        %swap3A_455 = arith.index_cast %add3A_414 : i32 to index
        %swap3A_456 = arith.constant 64 : index
        %swap3A_457 = tpu.vector_load %arg19[%swap3A_455, %swap3A_456] {strides = array<i32>} : memref<128x128xf32, #tpu.memory_space<vmem>>, vector<1x16xf32>,
        %swap3A_458 = vector.shape_cast %swap3A_457 : vector<1x16xf32> to vector<16xf32>
        %swap3A_459 = vector.shape_cast %get3A_454 : vector<16xf32> to vector<1x16xf32>
        tpu.vector_store %arg19[%swap3A_455, %swap3A_456], %swap3A_459 {strides = array<i32>} : memref<128x128xf32, #tpu.memory_space<vmem>>, vector<1x16xf32>,
        %get3A_460 = arith.index_cast %add3A_414 : i32 to index
        %get3A_461 = arith.constant 16 : index
        %get3A_462 = tpu.vector_load %arg18[%get3A_460, %get3A_461] {strides = array<i32>} : memref<128x128xf32, #tpu.memory_space<vmem>>, vector<1x16xf32>,
        %get3A_463 = vector.shape_cast %get3A_462 : vector<1x16xf32> to vector<16xf32>
        %swap3A_464 = arith.index_cast %add3A_414 : i32 to index
        %swap3A_465 = arith.constant 80 : index
        %swap3A_466 = tpu.vector_load %arg19[%swap3A_464, %swap3A_465] {strides = array<i32>} : memref<128x128xf32, #tpu.memory_space<vmem>>, vector<1x16xf32>,
        %swap3A_467 = vector.shape_cast %swap3A_466 : vector<1x16xf32> to vector<16xf32>
        %swap3A_468 = vector.shape_cast %get3A_463 : vector<16xf32> to vector<1x16xf32>
        tpu.vector_store %arg19[%swap3A_464, %swap3A_465], %swap3A_468 {strides = array<i32>} : memref<128x128xf32, #tpu.memory_space<vmem>>, vector<1x16xf32>,
        %mul3A_469 = arith.constant 16 : i32
        %mul3A_470 = arith.muli %scan3A_63, %mul3A_469 : i32
        %add3A_471 = arith.constant 7 : i32
        %add3A_472 = arith.addi %mul3A_470, %add3A_471 : i32
        %get3A_473 = arith.index_cast %add3A_472 : i32 to index
        %get3A_474 = arith.constant 0 : index
        %get3A_475 = tpu.vector_load %arg16[%get3A_473, %get3A_474] {strides = array<i32>} : memref<128x128xf32, #tpu.memory_space<vmem>>, vector<1x16xf32>,
        %get3A_476 = vector.shape_cast %get3A_475 : vector<1x16xf32> to vector<16xf32>
        %swap3A_477 = arith.index_cast %add3A_472 : i32 to index
        %swap3A_478 = arith.constant 0 : index
        %swap3A_479 = tpu.vector_load %arg19[%swap3A_477, %swap3A_478] {strides = array<i32>} : memref<128x128xf32, #tpu.memory_space<vmem>>, vector<1x16xf32>,
        %swap3A_480 = vector.shape_cast %swap3A_479 : vector<1x16xf32> to vector<16xf32>
        %swap3A_481 = vector.shape_cast %get3A_476 : vector<16xf32> to vector<1x16xf32>
        tpu.vector_store %arg19[%swap3A_477, %swap3A_478], %swap3A_481 {strides = array<i32>} : memref<128x128xf32, #tpu.memory_space<vmem>>, vector<1x16xf32>,
        %get3A_482 = arith.index_cast %add3A_472 : i32 to index
        %get3A_483 = arith.constant 16 : index
        %get3A_484 = tpu.vector_load %arg16[%get3A_482, %get3A_483] {strides = array<i32>} : memref<128x128xf32, #tpu.memory_space<vmem>>, vector<1x16xf32>,
        %get3A_485 = vector.shape_cast %get3A_484 : vector<1x16xf32> to vector<16xf32>
        %swap3A_486 = arith.index_cast %add3A_472 : i32 to index
        %swap3A_487 = arith.constant 16 : index
        %swap3A_488 = tpu.vector_load %arg19[%swap3A_486, %swap3A_487] {strides = array<i32>} : memref<128x128xf32, #tpu.memory_space<vmem>>, vector<1x16xf32>,
        %swap3A_489 = vector.shape_cast %swap3A_488 : vector<1x16xf32> to vector<16xf32>
        %swap3A_490 = vector.shape_cast %get3A_485 : vector<16xf32> to vector<1x16xf32>
        tpu.vector_store %arg19[%swap3A_486, %swap3A_487], %swap3A_490 {strides = array<i32>} : memref<128x128xf32, #tpu.memory_space<vmem>>, vector<1x16xf32>,
        %get3A_491 = arith.index_cast %add3A_472 : i32 to index
        %get3A_492 = arith.constant 0 : index
        %get3A_493 = tpu.vector_load %arg17[%get3A_491, %get3A_492] {strides = array<i32>} : memref<128x128xf32, #tpu.memory_space<vmem>>, vector<1x16xf32>,
        %get3A_494 = vector.shape_cast %get3A_493 : vector<1x16xf32> to vector<16xf32>
        %swap3A_495 = arith.index_cast %add3A_472 : i32 to index
        %swap3A_496 = arith.constant 32 : index
        %swap3A_497 = tpu.vector_load %arg19[%swap3A_495, %swap3A_496] {strides = array<i32>} : memref<128x128xf32, #tpu.memory_space<vmem>>, vector<1x16xf32>,
        %swap3A_498 = vector.shape_cast %swap3A_497 : vector<1x16xf32> to vector<16xf32>
        %swap3A_499 = vector.shape_cast %get3A_494 : vector<16xf32> to vector<1x16xf32>
        tpu.vector_store %arg19[%swap3A_495, %swap3A_496], %swap3A_499 {strides = array<i32>} : memref<128x128xf32, #tpu.memory_space<vmem>>, vector<1x16xf32>,
        %get3A_500 = arith.index_cast %add3A_472 : i32 to index
        %get3A_501 = arith.constant 16 : index
        %get3A_502 = tpu.vector_load %arg17[%get3A_500, %get3A_501] {strides = array<i32>} : memref<128x128xf32, #tpu.memory_space<vmem>>, vector<1x16xf32>,
        %get3A_503 = vector.shape_cast %get3A_502 : vector<1x16xf32> to vector<16xf32>
        %swap3A_504 = arith.index_cast %add3A_472 : i32 to index
        %swap3A_505 = arith.constant 48 : index
        %swap3A_506 = tpu.vector_load %arg19[%swap3A_504, %swap3A_505] {strides = array<i32>} : memref<128x128xf32, #tpu.memory_space<vmem>>, vector<1x16xf32>,
        %swap3A_507 = vector.shape_cast %swap3A_506 : vector<1x16xf32> to vector<16xf32>
        %swap3A_508 = vector.shape_cast %get3A_503 : vector<16xf32> to vector<1x16xf32>
        tpu.vector_store %arg19[%swap3A_504, %swap3A_505], %swap3A_508 {strides = array<i32>} : memref<128x128xf32, #tpu.memory_space<vmem>>, vector<1x16xf32>,
        %get3A_509 = arith.index_cast %add3A_472 : i32 to index
        %get3A_510 = arith.constant 0 : index
        %get3A_511 = tpu.vector_load %arg18[%get3A_509, %get3A_510] {strides = array<i32>} : memref<128x128xf32, #tpu.memory_space<vmem>>, vector<1x16xf32>,
        %get3A_512 = vector.shape_cast %get3A_511 : vector<1x16xf32> to vector<16xf32>
        %swap3A_513 = arith.index_cast %add3A_472 : i32 to index
        %swap3A_514 = arith.constant 64 : index
        %swap3A_515 = tpu.vector_load %arg19[%swap3A_513, %swap3A_514] {strides = array<i32>} : memref<128x128xf32, #tpu.memory_space<vmem>>, vector<1x16xf32>,
        %swap3A_516 = vector.shape_cast %swap3A_515 : vector<1x16xf32> to vector<16xf32>
        %swap3A_517 = vector.shape_cast %get3A_512 : vector<16xf32> to vector<1x16xf32>
        tpu.vector_store %arg19[%swap3A_513, %swap3A_514], %swap3A_517 {strides = array<i32>} : memref<128x128xf32, #tpu.memory_space<vmem>>, vector<1x16xf32>,
        %get3A_518 = arith.index_cast %add3A_472 : i32 to index
        %get3A_519 = arith.constant 16 : index
        %get3A_520 = tpu.vector_load %arg18[%get3A_518, %get3A_519] {strides = array<i32>} : memref<128x128xf32, #tpu.memory_space<vmem>>, vector<1x16xf32>,
        %get3A_521 = vector.shape_cast %get3A_520 : vector<1x16xf32> to vector<16xf32>
        %swap3A_522 = arith.index_cast %add3A_472 : i32 to index
        %swap3A_523 = arith.constant 80 : index
        %swap3A_524 = tpu.vector_load %arg19[%swap3A_522, %swap3A_523] {strides = array<i32>} : memref<128x128xf32, #tpu.memory_space<vmem>>, vector<1x16xf32>,
        %swap3A_525 = vector.shape_cast %swap3A_524 : vector<1x16xf32> to vector<16xf32>
        %swap3A_526 = vector.shape_cast %get3A_521 : vector<16xf32> to vector<1x16xf32>
        tpu.vector_store %arg19[%swap3A_522, %swap3A_523], %swap3A_526 {strides = array<i32>} : memref<128x128xf32, #tpu.memory_space<vmem>>, vector<1x16xf32>,
        %mul3A_527 = arith.constant 16 : i32
        %mul3A_528 = arith.muli %scan3A_63, %mul3A_527 : i32
        %add3A_529 = arith.constant 8 : i32
        %add3A_530 = arith.addi %mul3A_528, %add3A_529 : i32
        %get3A_531 = arith.index_cast %add3A_530 : i32 to index
        %get3A_532 = arith.constant 0 : index
        %get3A_533 = tpu.vector_load %arg16[%get3A_531, %get3A_532] {strides = array<i32>} : memref<128x128xf32, #tpu.memory_space<vmem>>, vector<1x16xf32>,
        %get3A_534 = vector.shape_cast %get3A_533 : vector<1x16xf32> to vector<16xf32>
        %swap3A_535 = arith.index_cast %add3A_530 : i32 to index
        %swap3A_536 = arith.constant 0 : index
        %swap3A_537 = tpu.vector_load %arg19[%swap3A_535, %swap3A_536] {strides = array<i32>} : memref<128x128xf32, #tpu.memory_space<vmem>>, vector<1x16xf32>,
        %swap3A_538 = vector.shape_cast %swap3A_537 : vector<1x16xf32> to vector<16xf32>
        %swap3A_539 = vector.shape_cast %get3A_534 : vector<16xf32> to vector<1x16xf32>
        tpu.vector_store %arg19[%swap3A_535, %swap3A_536], %swap3A_539 {strides = array<i32>} : memref<128x128xf32, #tpu.memory_space<vmem>>, vector<1x16xf32>,
        %get3A_540 = arith.index_cast %add3A_530 : i32 to index
        %get3A_541 = arith.constant 16 : index
        %get3A_542 = tpu.vector_load %arg16[%get3A_540, %get3A_541] {strides = array<i32>} : memref<128x128xf32, #tpu.memory_space<vmem>>, vector<1x16xf32>,
        %get3A_543 = vector.shape_cast %get3A_542 : vector<1x16xf32> to vector<16xf32>
        %swap3A_544 = arith.index_cast %add3A_530 : i32 to index
        %swap3A_545 = arith.constant 16 : index
        %swap3A_546 = tpu.vector_load %arg19[%swap3A_544, %swap3A_545] {strides = array<i32>} : memref<128x128xf32, #tpu.memory_space<vmem>>, vector<1x16xf32>,
        %swap3A_547 = vector.shape_cast %swap3A_546 : vector<1x16xf32> to vector<16xf32>
        %swap3A_548 = vector.shape_cast %get3A_543 : vector<16xf32> to vector<1x16xf32>
        tpu.vector_store %arg19[%swap3A_544, %swap3A_545], %swap3A_548 {strides = array<i32>} : memref<128x128xf32, #tpu.memory_space<vmem>>, vector<1x16xf32>,
        %get3A_549 = arith.index_cast %add3A_530 : i32 to index
        %get3A_550 = arith.constant 0 : index
        %get3A_551 = tpu.vector_load %arg17[%get3A_549, %get3A_550] {strides = array<i32>} : memref<128x128xf32, #tpu.memory_space<vmem>>, vector<1x16xf32>,
        %get3A_552 = vector.shape_cast %get3A_551 : vector<1x16xf32> to vector<16xf32>
        %swap3A_553 = arith.index_cast %add3A_530 : i32 to index
        %swap3A_554 = arith.constant 32 : index
        %swap3A_555 = tpu.vector_load %arg19[%swap3A_553, %swap3A_554] {strides = array<i32>} : memref<128x128xf32, #tpu.memory_space<vmem>>, vector<1x16xf32>,
        %swap3A_556 = vector.shape_cast %swap3A_555 : vector<1x16xf32> to vector<16xf32>
        %swap3A_557 = vector.shape_cast %get3A_552 : vector<16xf32> to vector<1x16xf32>
        tpu.vector_store %arg19[%swap3A_553, %swap3A_554], %swap3A_557 {strides = array<i32>} : memref<128x128xf32, #tpu.memory_space<vmem>>, vector<1x16xf32>,
        %get3A_558 = arith.index_cast %add3A_530 : i32 to index
        %get3A_559 = arith.constant 16 : index
        %get3A_560 = tpu.vector_load %arg17[%get3A_558, %get3A_559] {strides = array<i32>} : memref<128x128xf32, #tpu.memory_space<vmem>>, vector<1x16xf32>,
        %get3A_561 = vector.shape_cast %get3A_560 : vector<1x16xf32> to vector<16xf32>
        %swap3A_562 = arith.index_cast %add3A_530 : i32 to index
        %swap3A_563 = arith.constant 48 : index
        %swap3A_564 = tpu.vector_load %arg19[%swap3A_562, %swap3A_563] {strides = array<i32>} : memref<128x128xf32, #tpu.memory_space<vmem>>, vector<1x16xf32>,
        %swap3A_565 = vector.shape_cast %swap3A_564 : vector<1x16xf32> to vector<16xf32>
        %swap3A_566 = vector.shape_cast %get3A_561 : vector<16xf32> to vector<1x16xf32>
        tpu.vector_store %arg19[%swap3A_562, %swap3A_563], %swap3A_566 {strides = array<i32>} : memref<128x128xf32, #tpu.memory_space<vmem>>, vector<1x16xf32>,
        %get3A_567 = arith.index_cast %add3A_530 : i32 to index
        %get3A_568 = arith.constant 0 : index
        %get3A_569 = tpu.vector_load %arg18[%get3A_567, %get3A_568] {strides = array<i32>} : memref<128x128xf32, #tpu.memory_space<vmem>>, vector<1x16xf32>,
        %get3A_570 = vector.shape_cast %get3A_569 : vector<1x16xf32> to vector<16xf32>
        %swap3A_571 = arith.index_cast %add3A_530 : i32 to index
        %swap3A_572 = arith.constant 64 : index
        %swap3A_573 = tpu.vector_load %arg19[%swap3A_571, %swap3A_572] {strides = array<i32>} : memref<128x128xf32, #tpu.memory_space<vmem>>, vector<1x16xf32>,
        %swap3A_574 = vector.shape_cast %swap3A_573 : vector<1x16xf32> to vector<16xf32>
        %swap3A_575 = vector.shape_cast %get3A_570 : vector<16xf32> to vector<1x16xf32>
        tpu.vector_store %arg19[%swap3A_571, %swap3A_572], %swap3A_575 {strides = array<i32>} : memref<128x128xf32, #tpu.memory_space<vmem>>, vector<1x16xf32>,
        %get3A_576 = arith.index_cast %add3A_530 : i32 to index
        %get3A_577 = arith.constant 16 : index
        %get3A_578 = tpu.vector_load %arg18[%get3A_576, %get3A_577] {strides = array<i32>} : memref<128x128xf32, #tpu.memory_space<vmem>>, vector<1x16xf32>,
        %get3A_579 = vector.shape_cast %get3A_578 : vector<1x16xf32> to vector<16xf32>
        %swap3A_580 = arith.index_cast %add3A_530 : i32 to index
        %swap3A_581 = arith.constant 80 : index
        %swap3A_582 = tpu.vector_load %arg19[%swap3A_580, %swap3A_581] {strides = array<i32>} : memref<128x128xf32, #tpu.memory_space<vmem>>, vector<1x16xf32>,
        %swap3A_583 = vector.shape_cast %swap3A_582 : vector<1x16xf32> to vector<16xf32>
        %swap3A_584 = vector.shape_cast %get3A_579 : vector<16xf32> to vector<1x16xf32>
        tpu.vector_store %arg19[%swap3A_580, %swap3A_581], %swap3A_584 {strides = array<i32>} : memref<128x128xf32, #tpu.memory_space<vmem>>, vector<1x16xf32>,
        %mul3A_585 = arith.constant 16 : i32
        %mul3A_586 = arith.muli %scan3A_63, %mul3A_585 : i32
        %add3A_587 = arith.constant 9 : i32
        %add3A_588 = arith.addi %mul3A_586, %add3A_587 : i32
        %get3A_589 = arith.index_cast %add3A_588 : i32 to index
        %get3A_590 = arith.constant 0 : index
        %get3A_591 = tpu.vector_load %arg16[%get3A_589, %get3A_590] {strides = array<i32>} : memref<128x128xf32, #tpu.memory_space<vmem>>, vector<1x16xf32>,
        %get3A_592 = vector.shape_cast %get3A_591 : vector<1x16xf32> to vector<16xf32>
        %swap3A_593 = arith.index_cast %add3A_588 : i32 to index
        %swap3A_594 = arith.constant 0 : index
        %swap3A_595 = tpu.vector_load %arg19[%swap3A_593, %swap3A_594] {strides = array<i32>} : memref<128x128xf32, #tpu.memory_space<vmem>>, vector<1x16xf32>,
        %swap3A_596 = vector.shape_cast %swap3A_595 : vector<1x16xf32> to vector<16xf32>
        %swap3A_597 = vector.shape_cast %get3A_592 : vector<16xf32> to vector<1x16xf32>
        tpu.vector_store %arg19[%swap3A_593, %swap3A_594], %swap3A_597 {strides = array<i32>} : memref<128x128xf32, #tpu.memory_space<vmem>>, vector<1x16xf32>,
        %get3A_598 = arith.index_cast %add3A_588 : i32 to index
        %get3A_599 = arith.constant 16 : index
        %get3A_600 = tpu.vector_load %arg16[%get3A_598, %get3A_599] {strides = array<i32>} : memref<128x128xf32, #tpu.memory_space<vmem>>, vector<1x16xf32>,
        %get3A_601 = vector.shape_cast %get3A_600 : vector<1x16xf32> to vector<16xf32>
        %swap3A_602 = arith.index_cast %add3A_588 : i32 to index
        %swap3A_603 = arith.constant 16 : index
        %swap3A_604 = tpu.vector_load %arg19[%swap3A_602, %swap3A_603] {strides = array<i32>} : memref<128x128xf32, #tpu.memory_space<vmem>>, vector<1x16xf32>,
        %swap3A_605 = vector.shape_cast %swap3A_604 : vector<1x16xf32> to vector<16xf32>
        %swap3A_606 = vector.shape_cast %get3A_601 : vector<16xf32> to vector<1x16xf32>
        tpu.vector_store %arg19[%swap3A_602, %swap3A_603], %swap3A_606 {strides = array<i32>} : memref<128x128xf32, #tpu.memory_space<vmem>>, vector<1x16xf32>,
        %get3A_607 = arith.index_cast %add3A_588 : i32 to index
        %get3A_608 = arith.constant 0 : index
        %get3A_609 = tpu.vector_load %arg17[%get3A_607, %get3A_608] {strides = array<i32>} : memref<128x128xf32, #tpu.memory_space<vmem>>, vector<1x16xf32>,
        %get3A_610 = vector.shape_cast %get3A_609 : vector<1x16xf32> to vector<16xf32>
        %swap3A_611 = arith.index_cast %add3A_588 : i32 to index
        %swap3A_612 = arith.constant 32 : index
        %swap3A_613 = tpu.vector_load %arg19[%swap3A_611, %swap3A_612] {strides = array<i32>} : memref<128x128xf32, #tpu.memory_space<vmem>>, vector<1x16xf32>,
        %swap3A_614 = vector.shape_cast %swap3A_613 : vector<1x16xf32> to vector<16xf32>
        %swap3A_615 = vector.shape_cast %get3A_610 : vector<16xf32> to vector<1x16xf32>
        tpu.vector_store %arg19[%swap3A_611, %swap3A_612], %swap3A_615 {strides = array<i32>} : memref<128x128xf32, #tpu.memory_space<vmem>>, vector<1x16xf32>,
        %get3A_616 = arith.index_cast %add3A_588 : i32 to index
        %get3A_617 = arith.constant 16 : index
        %get3A_618 = tpu.vector_load %arg17[%get3A_616, %get3A_617] {strides = array<i32>} : memref<128x128xf32, #tpu.memory_space<vmem>>, vector<1x16xf32>,
        %get3A_619 = vector.shape_cast %get3A_618 : vector<1x16xf32> to vector<16xf32>
        %swap3A_620 = arith.index_cast %add3A_588 : i32 to index
        %swap3A_621 = arith.constant 48 : index
        %swap3A_622 = tpu.vector_load %arg19[%swap3A_620, %swap3A_621] {strides = array<i32>} : memref<128x128xf32, #tpu.memory_space<vmem>>, vector<1x16xf32>,
        %swap3A_623 = vector.shape_cast %swap3A_622 : vector<1x16xf32> to vector<16xf32>
        %swap3A_624 = vector.shape_cast %get3A_619 : vector<16xf32> to vector<1x16xf32>
        tpu.vector_store %arg19[%swap3A_620, %swap3A_621], %swap3A_624 {strides = array<i32>} : memref<128x128xf32, #tpu.memory_space<vmem>>, vector<1x16xf32>,
        %get3A_625 = arith.index_cast %add3A_588 : i32 to index
        %get3A_626 = arith.constant 0 : index
        %get3A_627 = tpu.vector_load %arg18[%get3A_625, %get3A_626] {strides = array<i32>} : memref<128x128xf32, #tpu.memory_space<vmem>>, vector<1x16xf32>,
        %get3A_628 = vector.shape_cast %get3A_627 : vector<1x16xf32> to vector<16xf32>
        %swap3A_629 = arith.index_cast %add3A_588 : i32 to index
        %swap3A_630 = arith.constant 64 : index
        %swap3A_631 = tpu.vector_load %arg19[%swap3A_629, %swap3A_630] {strides = array<i32>} : memref<128x128xf32, #tpu.memory_space<vmem>>, vector<1x16xf32>,
        %swap3A_632 = vector.shape_cast %swap3A_631 : vector<1x16xf32> to vector<16xf32>
        %swap3A_633 = vector.shape_cast %get3A_628 : vector<16xf32> to vector<1x16xf32>
        tpu.vector_store %arg19[%swap3A_629, %swap3A_630], %swap3A_633 {strides = array<i32>} : memref<128x128xf32, #tpu.memory_space<vmem>>, vector<1x16xf32>,
        %get3A_634 = arith.index_cast %add3A_588 : i32 to index
        %get3A_635 = arith.constant 16 : index
        %get3A_636 = tpu.vector_load %arg18[%get3A_634, %get3A_635] {strides = array<i32>} : memref<128x128xf32, #tpu.memory_space<vmem>>, vector<1x16xf32>,
        %get3A_637 = vector.shape_cast %get3A_636 : vector<1x16xf32> to vector<16xf32>
        %swap3A_638 = arith.index_cast %add3A_588 : i32 to index
        %swap3A_639 = arith.constant 80 : index
        %swap3A_640 = tpu.vector_load %arg19[%swap3A_638, %swap3A_639] {strides = array<i32>} : memref<128x128xf32, #tpu.memory_space<vmem>>, vector<1x16xf32>,
        %swap3A_641 = vector.shape_cast %swap3A_640 : vector<1x16xf32> to vector<16xf32>
        %swap3A_642 = vector.shape_cast %get3A_637 : vector<16xf32> to vector<1x16xf32>
        tpu.vector_store %arg19[%swap3A_638, %swap3A_639], %swap3A_642 {strides = array<i32>} : memref<128x128xf32, #tpu.memory_space<vmem>>, vector<1x16xf32>,
        %mul3A_643 = arith.constant 16 : i32
        %mul3A_644 = arith.muli %scan3A_63, %mul3A_643 : i32
        %add3A_645 = arith.constant 10 : i32
        %add3A_646 = arith.addi %mul3A_644, %add3A_645 : i32
        %get3A_647 = arith.index_cast %add3A_646 : i32 to index
        %get3A_648 = arith.constant 0 : index
        %get3A_649 = tpu.vector_load %arg16[%get3A_647, %get3A_648] {strides = array<i32>} : memref<128x128xf32, #tpu.memory_space<vmem>>, vector<1x16xf32>,
        %get3A_650 = vector.shape_cast %get3A_649 : vector<1x16xf32> to vector<16xf32>
        %swap3A_651 = arith.index_cast %add3A_646 : i32 to index
        %swap3A_652 = arith.constant 0 : index
        %swap3A_653 = tpu.vector_load %arg19[%swap3A_651, %swap3A_652] {strides = array<i32>} : memref<128x128xf32, #tpu.memory_space<vmem>>, vector<1x16xf32>,
        %swap3A_654 = vector.shape_cast %swap3A_653 : vector<1x16xf32> to vector<16xf32>
        %swap3A_655 = vector.shape_cast %get3A_650 : vector<16xf32> to vector<1x16xf32>
        tpu.vector_store %arg19[%swap3A_651, %swap3A_652], %swap3A_655 {strides = array<i32>} : memref<128x128xf32, #tpu.memory_space<vmem>>, vector<1x16xf32>,
        %get3A_656 = arith.index_cast %add3A_646 : i32 to index
        %get3A_657 = arith.constant 16 : index
        %get3A_658 = tpu.vector_load %arg16[%get3A_656, %get3A_657] {strides = array<i32>} : memref<128x128xf32, #tpu.memory_space<vmem>>, vector<1x16xf32>,
        %get3A_659 = vector.shape_cast %get3A_658 : vector<1x16xf32> to vector<16xf32>
        %swap3A_660 = arith.index_cast %add3A_646 : i32 to index
        %swap3A_661 = arith.constant 16 : index
        %swap3A_662 = tpu.vector_load %arg19[%swap3A_660, %swap3A_661] {strides = array<i32>} : memref<128x128xf32, #tpu.memory_space<vmem>>, vector<1x16xf32>,
        %swap3A_663 = vector.shape_cast %swap3A_662 : vector<1x16xf32> to vector<16xf32>
        %swap3A_664 = vector.shape_cast %get3A_659 : vector<16xf32> to vector<1x16xf32>
        tpu.vector_store %arg19[%swap3A_660, %swap3A_661], %swap3A_664 {strides = array<i32>} : memref<128x128xf32, #tpu.memory_space<vmem>>, vector<1x16xf32>,
        %get3A_665 = arith.index_cast %add3A_646 : i32 to index
        %get3A_666 = arith.constant 0 : index
        %get3A_667 = tpu.vector_load %arg17[%get3A_665, %get3A_666] {strides = array<i32>} : memref<128x128xf32, #tpu.memory_space<vmem>>, vector<1x16xf32>,
        %get3A_668 = vector.shape_cast %get3A_667 : vector<1x16xf32> to vector<16xf32>
        %swap3A_669 = arith.index_cast %add3A_646 : i32 to index
        %swap3A_670 = arith.constant 32 : index
        %swap3A_671 = tpu.vector_load %arg19[%swap3A_669, %swap3A_670] {strides = array<i32>} : memref<128x128xf32, #tpu.memory_space<vmem>>, vector<1x16xf32>,
        %swap3A_672 = vector.shape_cast %swap3A_671 : vector<1x16xf32> to vector<16xf32>
        %swap3A_673 = vector.shape_cast %get3A_668 : vector<16xf32> to vector<1x16xf32>
        tpu.vector_store %arg19[%swap3A_669, %swap3A_670], %swap3A_673 {strides = array<i32>} : memref<128x128xf32, #tpu.memory_space<vmem>>, vector<1x16xf32>,
        %get3A_674 = arith.index_cast %add3A_646 : i32 to index
        %get3A_675 = arith.constant 16 : index
        %get3A_676 = tpu.vector_load %arg17[%get3A_674, %get3A_675] {strides = array<i32>} : memref<128x128xf32, #tpu.memory_space<vmem>>, vector<1x16xf32>,
        %get3A_677 = vector.shape_cast %get3A_676 : vector<1x16xf32> to vector<16xf32>
        %swap3A_678 = arith.index_cast %add3A_646 : i32 to index
        %swap3A_679 = arith.constant 48 : index
        %swap3A_680 = tpu.vector_load %arg19[%swap3A_678, %swap3A_679] {strides = array<i32>} : memref<128x128xf32, #tpu.memory_space<vmem>>, vector<1x16xf32>,
        %swap3A_681 = vector.shape_cast %swap3A_680 : vector<1x16xf32> to vector<16xf32>
        %swap3A_682 = vector.shape_cast %get3A_677 : vector<16xf32> to vector<1x16xf32>
        tpu.vector_store %arg19[%swap3A_678, %swap3A_679], %swap3A_682 {strides = array<i32>} : memref<128x128xf32, #tpu.memory_space<vmem>>, vector<1x16xf32>,
        %get3A_683 = arith.index_cast %add3A_646 : i32 to index
        %get3A_684 = arith.constant 0 : index
        %get3A_685 = tpu.vector_load %arg18[%get3A_683, %get3A_684] {strides = array<i32>} : memref<128x128xf32, #tpu.memory_space<vmem>>, vector<1x16xf32>,
        %get3A_686 = vector.shape_cast %get3A_685 : vector<1x16xf32> to vector<16xf32>
        %swap3A_687 = arith.index_cast %add3A_646 : i32 to index
        %swap3A_688 = arith.constant 64 : index
        %swap3A_689 = tpu.vector_load %arg19[%swap3A_687, %swap3A_688] {strides = array<i32>} : memref<128x128xf32, #tpu.memory_space<vmem>>, vector<1x16xf32>,
        %swap3A_690 = vector.shape_cast %swap3A_689 : vector<1x16xf32> to vector<16xf32>
        %swap3A_691 = vector.shape_cast %get3A_686 : vector<16xf32> to vector<1x16xf32>
        tpu.vector_store %arg19[%swap3A_687, %swap3A_688], %swap3A_691 {strides = array<i32>} : memref<128x128xf32, #tpu.memory_space<vmem>>, vector<1x16xf32>,
        %get3A_692 = arith.index_cast %add3A_646 : i32 to index
        %get3A_693 = arith.constant 16 : index
        %get3A_694 = tpu.vector_load %arg18[%get3A_692, %get3A_693] {strides = array<i32>} : memref<128x128xf32, #tpu.memory_space<vmem>>, vector<1x16xf32>,
        %get3A_695 = vector.shape_cast %get3A_694 : vector<1x16xf32> to vector<16xf32>
        %swap3A_696 = arith.index_cast %add3A_646 : i32 to index
        %swap3A_697 = arith.constant 80 : index
        %swap3A_698 = tpu.vector_load %arg19[%swap3A_696, %swap3A_697] {strides = array<i32>} : memref<128x128xf32, #tpu.memory_space<vmem>>, vector<1x16xf32>,
        %swap3A_699 = vector.shape_cast %swap3A_698 : vector<1x16xf32> to vector<16xf32>
        %swap3A_700 = vector.shape_cast %get3A_695 : vector<16xf32> to vector<1x16xf32>
        tpu.vector_store %arg19[%swap3A_696, %swap3A_697], %swap3A_700 {strides = array<i32>} : memref<128x128xf32, #tpu.memory_space<vmem>>, vector<1x16xf32>,
        %mul3A_701 = arith.constant 16 : i32
        %mul3A_702 = arith.muli %scan3A_63, %mul3A_701 : i32
        %add3A_703 = arith.constant 11 : i32
        %add3A_704 = arith.addi %mul3A_702, %add3A_703 : i32
        %get3A_705 = arith.index_cast %add3A_704 : i32 to index
        %get3A_706 = arith.constant 0 : index
        %get3A_707 = tpu.vector_load %arg16[%get3A_705, %get3A_706] {strides = array<i32>} : memref<128x128xf32, #tpu.memory_space<vmem>>, vector<1x16xf32>,
        %get3A_708 = vector.shape_cast %get3A_707 : vector<1x16xf32> to vector<16xf32>
        %swap3A_709 = arith.index_cast %add3A_704 : i32 to index
        %swap3A_710 = arith.constant 0 : index
        %swap3A_711 = tpu.vector_load %arg19[%swap3A_709, %swap3A_710] {strides = array<i32>} : memref<128x128xf32, #tpu.memory_space<vmem>>, vector<1x16xf32>,
        %swap3A_712 = vector.shape_cast %swap3A_711 : vector<1x16xf32> to vector<16xf32>
        %swap3A_713 = vector.shape_cast %get3A_708 : vector<16xf32> to vector<1x16xf32>
        tpu.vector_store %arg19[%swap3A_709, %swap3A_710], %swap3A_713 {strides = array<i32>} : memref<128x128xf32, #tpu.memory_space<vmem>>, vector<1x16xf32>,
        %get3A_714 = arith.index_cast %add3A_704 : i32 to index
        %get3A_715 = arith.constant 16 : index
        %get3A_716 = tpu.vector_load %arg16[%get3A_714, %get3A_715] {strides = array<i32>} : memref<128x128xf32, #tpu.memory_space<vmem>>, vector<1x16xf32>,
        %get3A_717 = vector.shape_cast %get3A_716 : vector<1x16xf32> to vector<16xf32>
        %swap3A_718 = arith.index_cast %add3A_704 : i32 to index
        %swap3A_719 = arith.constant 16 : index
        %swap3A_720 = tpu.vector_load %arg19[%swap3A_718, %swap3A_719] {strides = array<i32>} : memref<128x128xf32, #tpu.memory_space<vmem>>, vector<1x16xf32>,
        %swap3A_721 = vector.shape_cast %swap3A_720 : vector<1x16xf32> to vector<16xf32>
        %swap3A_722 = vector.shape_cast %get3A_717 : vector<16xf32> to vector<1x16xf32>
        tpu.vector_store %arg19[%swap3A_718, %swap3A_719], %swap3A_722 {strides = array<i32>} : memref<128x128xf32, #tpu.memory_space<vmem>>, vector<1x16xf32>,
        %get3A_723 = arith.index_cast %add3A_704 : i32 to index
        %get3A_724 = arith.constant 0 : index
        %get3A_725 = tpu.vector_load %arg17[%get3A_723, %get3A_724] {strides = array<i32>} : memref<128x128xf32, #tpu.memory_space<vmem>>, vector<1x16xf32>,
        %get3A_726 = vector.shape_cast %get3A_725 : vector<1x16xf32> to vector<16xf32>
        %swap3A_727 = arith.index_cast %add3A_704 : i32 to index
        %swap3A_728 = arith.constant 32 : index
        %swap3A_729 = tpu.vector_load %arg19[%swap3A_727, %swap3A_728] {strides = array<i32>} : memref<128x128xf32, #tpu.memory_space<vmem>>, vector<1x16xf32>,
        %swap3A_730 = vector.shape_cast %swap3A_729 : vector<1x16xf32> to vector<16xf32>
        %swap3A_731 = vector.shape_cast %get3A_726 : vector<16xf32> to vector<1x16xf32>
        tpu.vector_store %arg19[%swap3A_727, %swap3A_728], %swap3A_731 {strides = array<i32>} : memref<128x128xf32, #tpu.memory_space<vmem>>, vector<1x16xf32>,
        %get3A_732 = arith.index_cast %add3A_704 : i32 to index
        %get3A_733 = arith.constant 16 : index
        %get3A_734 = tpu.vector_load %arg17[%get3A_732, %get3A_733] {strides = array<i32>} : memref<128x128xf32, #tpu.memory_space<vmem>>, vector<1x16xf32>,
        %get3A_735 = vector.shape_cast %get3A_734 : vector<1x16xf32> to vector<16xf32>
        %swap3A_736 = arith.index_cast %add3A_704 : i32 to index
        %swap3A_737 = arith.constant 48 : index
        %swap3A_738 = tpu.vector_load %arg19[%swap3A_736, %swap3A_737] {strides = array<i32>} : memref<128x128xf32, #tpu.memory_space<vmem>>, vector<1x16xf32>,
        %swap3A_739 = vector.shape_cast %swap3A_738 : vector<1x16xf32> to vector<16xf32>
        %swap3A_740 = vector.shape_cast %get3A_735 : vector<16xf32> to vector<1x16xf32>
        tpu.vector_store %arg19[%swap3A_736, %swap3A_737], %swap3A_740 {strides = array<i32>} : memref<128x128xf32, #tpu.memory_space<vmem>>, vector<1x16xf32>,
        %get3A_741 = arith.index_cast %add3A_704 : i32 to index
        %get3A_742 = arith.constant 0 : index
        %get3A_743 = tpu.vector_load %arg18[%get3A_741, %get3A_742] {strides = array<i32>} : memref<128x128xf32, #tpu.memory_space<vmem>>, vector<1x16xf32>,
        %get3A_744 = vector.shape_cast %get3A_743 : vector<1x16xf32> to vector<16xf32>
        %swap3A_745 = arith.index_cast %add3A_704 : i32 to index
        %swap3A_746 = arith.constant 64 : index
        %swap3A_747 = tpu.vector_load %arg19[%swap3A_745, %swap3A_746] {strides = array<i32>} : memref<128x128xf32, #tpu.memory_space<vmem>>, vector<1x16xf32>,
        %swap3A_748 = vector.shape_cast %swap3A_747 : vector<1x16xf32> to vector<16xf32>
        %swap3A_749 = vector.shape_cast %get3A_744 : vector<16xf32> to vector<1x16xf32>
        tpu.vector_store %arg19[%swap3A_745, %swap3A_746], %swap3A_749 {strides = array<i32>} : memref<128x128xf32, #tpu.memory_space<vmem>>, vector<1x16xf32>,
        %get3A_750 = arith.index_cast %add3A_704 : i32 to index
        %get3A_751 = arith.constant 16 : index
        %get3A_752 = tpu.vector_load %arg18[%get3A_750, %get3A_751] {strides = array<i32>} : memref<128x128xf32, #tpu.memory_space<vmem>>, vector<1x16xf32>,
        %get3A_753 = vector.shape_cast %get3A_752 : vector<1x16xf32> to vector<16xf32>
        %swap3A_754 = arith.index_cast %add3A_704 : i32 to index
        %swap3A_755 = arith.constant 80 : index
        %swap3A_756 = tpu.vector_load %arg19[%swap3A_754, %swap3A_755] {strides = array<i32>} : memref<128x128xf32, #tpu.memory_space<vmem>>, vector<1x16xf32>,
        %swap3A_757 = vector.shape_cast %swap3A_756 : vector<1x16xf32> to vector<16xf32>
        %swap3A_758 = vector.shape_cast %get3A_753 : vector<16xf32> to vector<1x16xf32>
        tpu.vector_store %arg19[%swap3A_754, %swap3A_755], %swap3A_758 {strides = array<i32>} : memref<128x128xf32, #tpu.memory_space<vmem>>, vector<1x16xf32>,
        %mul3A_759 = arith.constant 16 : i32
        %mul3A_760 = arith.muli %scan3A_63, %mul3A_759 : i32
        %add3A_761 = arith.constant 12 : i32
        %add3A_762 = arith.addi %mul3A_760, %add3A_761 : i32
        %get3A_763 = arith.index_cast %add3A_762 : i32 to index
        %get3A_764 = arith.constant 0 : index
        %get3A_765 = tpu.vector_load %arg16[%get3A_763, %get3A_764] {strides = array<i32>} : memref<128x128xf32, #tpu.memory_space<vmem>>, vector<1x16xf32>,
        %get3A_766 = vector.shape_cast %get3A_765 : vector<1x16xf32> to vector<16xf32>
        %swap3A_767 = arith.index_cast %add3A_762 : i32 to index
        %swap3A_768 = arith.constant 0 : index
        %swap3A_769 = tpu.vector_load %arg19[%swap3A_767, %swap3A_768] {strides = array<i32>} : memref<128x128xf32, #tpu.memory_space<vmem>>, vector<1x16xf32>,
        %swap3A_770 = vector.shape_cast %swap3A_769 : vector<1x16xf32> to vector<16xf32>
        %swap3A_771 = vector.shape_cast %get3A_766 : vector<16xf32> to vector<1x16xf32>
        tpu.vector_store %arg19[%swap3A_767, %swap3A_768], %swap3A_771 {strides = array<i32>} : memref<128x128xf32, #tpu.memory_space<vmem>>, vector<1x16xf32>,
        %get3A_772 = arith.index_cast %add3A_762 : i32 to index
        %get3A_773 = arith.constant 16 : index
        %get3A_774 = tpu.vector_load %arg16[%get3A_772, %get3A_773] {strides = array<i32>} : memref<128x128xf32, #tpu.memory_space<vmem>>, vector<1x16xf32>,
        %get3A_775 = vector.shape_cast %get3A_774 : vector<1x16xf32> to vector<16xf32>
        %swap3A_776 = arith.index_cast %add3A_762 : i32 to index
        %swap3A_777 = arith.constant 16 : index
        %swap3A_778 = tpu.vector_load %arg19[%swap3A_776, %swap3A_777] {strides = array<i32>} : memref<128x128xf32, #tpu.memory_space<vmem>>, vector<1x16xf32>,
        %swap3A_779 = vector.shape_cast %swap3A_778 : vector<1x16xf32> to vector<16xf32>
        %swap3A_780 = vector.shape_cast %get3A_775 : vector<16xf32> to vector<1x16xf32>
        tpu.vector_store %arg19[%swap3A_776, %swap3A_777], %swap3A_780 {strides = array<i32>} : memref<128x128xf32, #tpu.memory_space<vmem>>, vector<1x16xf32>,
        %get3A_781 = arith.index_cast %add3A_762 : i32 to index
        %get3A_782 = arith.constant 0 : index
        %get3A_783 = tpu.vector_load %arg17[%get3A_781, %get3A_782] {strides = array<i32>} : memref<128x128xf32, #tpu.memory_space<vmem>>, vector<1x16xf32>,
        %get3A_784 = vector.shape_cast %get3A_783 : vector<1x16xf32> to vector<16xf32>
        %swap3A_785 = arith.index_cast %add3A_762 : i32 to index
        %swap3A_786 = arith.constant 32 : index
        %swap3A_787 = tpu.vector_load %arg19[%swap3A_785, %swap3A_786] {strides = array<i32>} : memref<128x128xf32, #tpu.memory_space<vmem>>, vector<1x16xf32>,
        %swap3A_788 = vector.shape_cast %swap3A_787 : vector<1x16xf32> to vector<16xf32>
        %swap3A_789 = vector.shape_cast %get3A_784 : vector<16xf32> to vector<1x16xf32>
        tpu.vector_store %arg19[%swap3A_785, %swap3A_786], %swap3A_789 {strides = array<i32>} : memref<128x128xf32, #tpu.memory_space<vmem>>, vector<1x16xf32>,
        %get3A_790 = arith.index_cast %add3A_762 : i32 to index
        %get3A_791 = arith.constant 16 : index
        %get3A_792 = tpu.vector_load %arg17[%get3A_790, %get3A_791] {strides = array<i32>} : memref<128x128xf32, #tpu.memory_space<vmem>>, vector<1x16xf32>,
        %get3A_793 = vector.shape_cast %get3A_792 : vector<1x16xf32> to vector<16xf32>
        %swap3A_794 = arith.index_cast %add3A_762 : i32 to index
        %swap3A_795 = arith.constant 48 : index
        %swap3A_796 = tpu.vector_load %arg19[%swap3A_794, %swap3A_795] {strides = array<i32>} : memref<128x128xf32, #tpu.memory_space<vmem>>, vector<1x16xf32>,
        %swap3A_797 = vector.shape_cast %swap3A_796 : vector<1x16xf32> to vector<16xf32>
        %swap3A_798 = vector.shape_cast %get3A_793 : vector<16xf32> to vector<1x16xf32>
        tpu.vector_store %arg19[%swap3A_794, %swap3A_795], %swap3A_798 {strides = array<i32>} : memref<128x128xf32, #tpu.memory_space<vmem>>, vector<1x16xf32>,
        %get3A_799 = arith.index_cast %add3A_762 : i32 to index
        %get3A_800 = arith.constant 0 : index
        %get3A_801 = tpu.vector_load %arg18[%get3A_799, %get3A_800] {strides = array<i32>} : memref<128x128xf32, #tpu.memory_space<vmem>>, vector<1x16xf32>,
        %get3A_802 = vector.shape_cast %get3A_801 : vector<1x16xf32> to vector<16xf32>
        %swap3A_803 = arith.index_cast %add3A_762 : i32 to index
        %swap3A_804 = arith.constant 64 : index
        %swap3A_805 = tpu.vector_load %arg19[%swap3A_803, %swap3A_804] {strides = array<i32>} : memref<128x128xf32, #tpu.memory_space<vmem>>, vector<1x16xf32>,
        %swap3A_806 = vector.shape_cast %swap3A_805 : vector<1x16xf32> to vector<16xf32>
        %swap3A_807 = vector.shape_cast %get3A_802 : vector<16xf32> to vector<1x16xf32>
        tpu.vector_store %arg19[%swap3A_803, %swap3A_804], %swap3A_807 {strides = array<i32>} : memref<128x128xf32, #tpu.memory_space<vmem>>, vector<1x16xf32>,
        %get3A_808 = arith.index_cast %add3A_762 : i32 to index
        %get3A_809 = arith.constant 16 : index
        %get3A_810 = tpu.vector_load %arg18[%get3A_808, %get3A_809] {strides = array<i32>} : memref<128x128xf32, #tpu.memory_space<vmem>>, vector<1x16xf32>,
        %get3A_811 = vector.shape_cast %get3A_810 : vector<1x16xf32> to vector<16xf32>
        %swap3A_812 = arith.index_cast %add3A_762 : i32 to index
        %swap3A_813 = arith.constant 80 : index
        %swap3A_814 = tpu.vector_load %arg19[%swap3A_812, %swap3A_813] {strides = array<i32>} : memref<128x128xf32, #tpu.memory_space<vmem>>, vector<1x16xf32>,
        %swap3A_815 = vector.shape_cast %swap3A_814 : vector<1x16xf32> to vector<16xf32>
        %swap3A_816 = vector.shape_cast %get3A_811 : vector<16xf32> to vector<1x16xf32>
        tpu.vector_store %arg19[%swap3A_812, %swap3A_813], %swap3A_816 {strides = array<i32>} : memref<128x128xf32, #tpu.memory_space<vmem>>, vector<1x16xf32>,
        %mul3A_817 = arith.constant 16 : i32
        %mul3A_818 = arith.muli %scan3A_63, %mul3A_817 : i32
        %add3A_819 = arith.constant 13 : i32
        %add3A_820 = arith.addi %mul3A_818, %add3A_819 : i32
        %get3A_821 = arith.index_cast %add3A_820 : i32 to index
        %get3A_822 = arith.constant 0 : index
        %get3A_823 = tpu.vector_load %arg16[%get3A_821, %get3A_822] {strides = array<i32>} : memref<128x128xf32, #tpu.memory_space<vmem>>, vector<1x16xf32>,
        %get3A_824 = vector.shape_cast %get3A_823 : vector<1x16xf32> to vector<16xf32>
        %swap3A_825 = arith.index_cast %add3A_820 : i32 to index
        %swap3A_826 = arith.constant 0 : index
        %swap3A_827 = tpu.vector_load %arg19[%swap3A_825, %swap3A_826] {strides = array<i32>} : memref<128x128xf32, #tpu.memory_space<vmem>>, vector<1x16xf32>,
        %swap3A_828 = vector.shape_cast %swap3A_827 : vector<1x16xf32> to vector<16xf32>
        %swap3A_829 = vector.shape_cast %get3A_824 : vector<16xf32> to vector<1x16xf32>
        tpu.vector_store %arg19[%swap3A_825, %swap3A_826], %swap3A_829 {strides = array<i32>} : memref<128x128xf32, #tpu.memory_space<vmem>>, vector<1x16xf32>,
        %get3A_830 = arith.index_cast %add3A_820 : i32 to index
        %get3A_831 = arith.constant 16 : index
        %get3A_832 = tpu.vector_load %arg16[%get3A_830, %get3A_831] {strides = array<i32>} : memref<128x128xf32, #tpu.memory_space<vmem>>, vector<1x16xf32>,
        %get3A_833 = vector.shape_cast %get3A_832 : vector<1x16xf32> to vector<16xf32>
        %swap3A_834 = arith.index_cast %add3A_820 : i32 to index
        %swap3A_835 = arith.constant 16 : index
        %swap3A_836 = tpu.vector_load %arg19[%swap3A_834, %swap3A_835] {strides = array<i32>} : memref<128x128xf32, #tpu.memory_space<vmem>>, vector<1x16xf32>,
        %swap3A_837 = vector.shape_cast %swap3A_836 : vector<1x16xf32> to vector<16xf32>
        %swap3A_838 = vector.shape_cast %get3A_833 : vector<16xf32> to vector<1x16xf32>
        tpu.vector_store %arg19[%swap3A_834, %swap3A_835], %swap3A_838 {strides = array<i32>} : memref<128x128xf32, #tpu.memory_space<vmem>>, vector<1x16xf32>,
        %get3A_839 = arith.index_cast %add3A_820 : i32 to index
        %get3A_840 = arith.constant 0 : index
        %get3A_841 = tpu.vector_load %arg17[%get3A_839, %get3A_840] {strides = array<i32>} : memref<128x128xf32, #tpu.memory_space<vmem>>, vector<1x16xf32>,
        %get3A_842 = vector.shape_cast %get3A_841 : vector<1x16xf32> to vector<16xf32>
        %swap3A_843 = arith.index_cast %add3A_820 : i32 to index
        %swap3A_844 = arith.constant 32 : index
        %swap3A_845 = tpu.vector_load %arg19[%swap3A_843, %swap3A_844] {strides = array<i32>} : memref<128x128xf32, #tpu.memory_space<vmem>>, vector<1x16xf32>,
        %swap3A_846 = vector.shape_cast %swap3A_845 : vector<1x16xf32> to vector<16xf32>
        %swap3A_847 = vector.shape_cast %get3A_842 : vector<16xf32> to vector<1x16xf32>
        tpu.vector_store %arg19[%swap3A_843, %swap3A_844], %swap3A_847 {strides = array<i32>} : memref<128x128xf32, #tpu.memory_space<vmem>>, vector<1x16xf32>,
        %get3A_848 = arith.index_cast %add3A_820 : i32 to index
        %get3A_849 = arith.constant 16 : index
        %get3A_850 = tpu.vector_load %arg17[%get3A_848, %get3A_849] {strides = array<i32>} : memref<128x128xf32, #tpu.memory_space<vmem>>, vector<1x16xf32>,
        %get3A_851 = vector.shape_cast %get3A_850 : vector<1x16xf32> to vector<16xf32>
        %swap3A_852 = arith.index_cast %add3A_820 : i32 to index
        %swap3A_853 = arith.constant 48 : index
        %swap3A_854 = tpu.vector_load %arg19[%swap3A_852, %swap3A_853] {strides = array<i32>} : memref<128x128xf32, #tpu.memory_space<vmem>>, vector<1x16xf32>,
        %swap3A_855 = vector.shape_cast %swap3A_854 : vector<1x16xf32> to vector<16xf32>
        %swap3A_856 = vector.shape_cast %get3A_851 : vector<16xf32> to vector<1x16xf32>
        tpu.vector_store %arg19[%swap3A_852, %swap3A_853], %swap3A_856 {strides = array<i32>} : memref<128x128xf32, #tpu.memory_space<vmem>>, vector<1x16xf32>,
        %get3A_857 = arith.index_cast %add3A_820 : i32 to index
        %get3A_858 = arith.constant 0 : index
        %get3A_859 = tpu.vector_load %arg18[%get3A_857, %get3A_858] {strides = array<i32>} : memref<128x128xf32, #tpu.memory_space<vmem>>, vector<1x16xf32>,
        %get3A_860 = vector.shape_cast %get3A_859 : vector<1x16xf32> to vector<16xf32>
        %swap3A_861 = arith.index_cast %add3A_820 : i32 to index
        %swap3A_862 = arith.constant 64 : index
        %swap3A_863 = tpu.vector_load %arg19[%swap3A_861, %swap3A_862] {strides = array<i32>} : memref<128x128xf32, #tpu.memory_space<vmem>>, vector<1x16xf32>,
        %swap3A_864 = vector.shape_cast %swap3A_863 : vector<1x16xf32> to vector<16xf32>
        %swap3A_865 = vector.shape_cast %get3A_860 : vector<16xf32> to vector<1x16xf32>
        tpu.vector_store %arg19[%swap3A_861, %swap3A_862], %swap3A_865 {strides = array<i32>} : memref<128x128xf32, #tpu.memory_space<vmem>>, vector<1x16xf32>,
        %get3A_866 = arith.index_cast %add3A_820 : i32 to index
        %get3A_867 = arith.constant 16 : index
        %get3A_868 = tpu.vector_load %arg18[%get3A_866, %get3A_867] {strides = array<i32>} : memref<128x128xf32, #tpu.memory_space<vmem>>, vector<1x16xf32>,
        %get3A_869 = vector.shape_cast %get3A_868 : vector<1x16xf32> to vector<16xf32>
        %swap3A_870 = arith.index_cast %add3A_820 : i32 to index
        %swap3A_871 = arith.constant 80 : index
        %swap3A_872 = tpu.vector_load %arg19[%swap3A_870, %swap3A_871] {strides = array<i32>} : memref<128x128xf32, #tpu.memory_space<vmem>>, vector<1x16xf32>,
        %swap3A_873 = vector.shape_cast %swap3A_872 : vector<1x16xf32> to vector<16xf32>
        %swap3A_874 = vector.shape_cast %get3A_869 : vector<16xf32> to vector<1x16xf32>
        tpu.vector_store %arg19[%swap3A_870, %swap3A_871], %swap3A_874 {strides = array<i32>} : memref<128x128xf32, #tpu.memory_space<vmem>>, vector<1x16xf32>,
        %mul3A_875 = arith.constant 16 : i32
        %mul3A_876 = arith.muli %scan3A_63, %mul3A_875 : i32
        %add3A_877 = arith.constant 14 : i32
        %add3A_878 = arith.addi %mul3A_876, %add3A_877 : i32
        %get3A_879 = arith.index_cast %add3A_878 : i32 to index
        %get3A_880 = arith.constant 0 : index
        %get3A_881 = tpu.vector_load %arg16[%get3A_879, %get3A_880] {strides = array<i32>} : memref<128x128xf32, #tpu.memory_space<vmem>>, vector<1x16xf32>,
        %get3A_882 = vector.shape_cast %get3A_881 : vector<1x16xf32> to vector<16xf32>
        %swap3A_883 = arith.index_cast %add3A_878 : i32 to index
        %swap3A_884 = arith.constant 0 : index
        %swap3A_885 = tpu.vector_load %arg19[%swap3A_883, %swap3A_884] {strides = array<i32>} : memref<128x128xf32, #tpu.memory_space<vmem>>, vector<1x16xf32>,
        %swap3A_886 = vector.shape_cast %swap3A_885 : vector<1x16xf32> to vector<16xf32>
        %swap3A_887 = vector.shape_cast %get3A_882 : vector<16xf32> to vector<1x16xf32>
        tpu.vector_store %arg19[%swap3A_883, %swap3A_884], %swap3A_887 {strides = array<i32>} : memref<128x128xf32, #tpu.memory_space<vmem>>, vector<1x16xf32>,
        %get3A_888 = arith.index_cast %add3A_878 : i32 to index
        %get3A_889 = arith.constant 16 : index
        %get3A_890 = tpu.vector_load %arg16[%get3A_888, %get3A_889] {strides = array<i32>} : memref<128x128xf32, #tpu.memory_space<vmem>>, vector<1x16xf32>,
        %get3A_891 = vector.shape_cast %get3A_890 : vector<1x16xf32> to vector<16xf32>
        %swap3A_892 = arith.index_cast %add3A_878 : i32 to index
        %swap3A_893 = arith.constant 16 : index
        %swap3A_894 = tpu.vector_load %arg19[%swap3A_892, %swap3A_893] {strides = array<i32>} : memref<128x128xf32, #tpu.memory_space<vmem>>, vector<1x16xf32>,
        %swap3A_895 = vector.shape_cast %swap3A_894 : vector<1x16xf32> to vector<16xf32>
        %swap3A_896 = vector.shape_cast %get3A_891 : vector<16xf32> to vector<1x16xf32>
        tpu.vector_store %arg19[%swap3A_892, %swap3A_893], %swap3A_896 {strides = array<i32>} : memref<128x128xf32, #tpu.memory_space<vmem>>, vector<1x16xf32>,
        %get3A_897 = arith.index_cast %add3A_878 : i32 to index
        %get3A_898 = arith.constant 0 : index
        %get3A_899 = tpu.vector_load %arg17[%get3A_897, %get3A_898] {strides = array<i32>} : memref<128x128xf32, #tpu.memory_space<vmem>>, vector<1x16xf32>,
        %get3A_900 = vector.shape_cast %get3A_899 : vector<1x16xf32> to vector<16xf32>
        %swap3A_901 = arith.index_cast %add3A_878 : i32 to index
        %swap3A_902 = arith.constant 32 : index
        %swap3A_903 = tpu.vector_load %arg19[%swap3A_901, %swap3A_902] {strides = array<i32>} : memref<128x128xf32, #tpu.memory_space<vmem>>, vector<1x16xf32>,
        %swap3A_904 = vector.shape_cast %swap3A_903 : vector<1x16xf32> to vector<16xf32>
        %swap3A_905 = vector.shape_cast %get3A_900 : vector<16xf32> to vector<1x16xf32>
        tpu.vector_store %arg19[%swap3A_901, %swap3A_902], %swap3A_905 {strides = array<i32>} : memref<128x128xf32, #tpu.memory_space<vmem>>, vector<1x16xf32>,
        %get3A_906 = arith.index_cast %add3A_878 : i32 to index
        %get3A_907 = arith.constant 16 : index
        %get3A_908 = tpu.vector_load %arg17[%get3A_906, %get3A_907] {strides = array<i32>} : memref<128x128xf32, #tpu.memory_space<vmem>>, vector<1x16xf32>,
        %get3A_909 = vector.shape_cast %get3A_908 : vector<1x16xf32> to vector<16xf32>
        %swap3A_910 = arith.index_cast %add3A_878 : i32 to index
        %swap3A_911 = arith.constant 48 : index
        %swap3A_912 = tpu.vector_load %arg19[%swap3A_910, %swap3A_911] {strides = array<i32>} : memref<128x128xf32, #tpu.memory_space<vmem>>, vector<1x16xf32>,
        %swap3A_913 = vector.shape_cast %swap3A_912 : vector<1x16xf32> to vector<16xf32>
        %swap3A_914 = vector.shape_cast %get3A_909 : vector<16xf32> to vector<1x16xf32>
        tpu.vector_store %arg19[%swap3A_910, %swap3A_911], %swap3A_914 {strides = array<i32>} : memref<128x128xf32, #tpu.memory_space<vmem>>, vector<1x16xf32>,
        %get3A_915 = arith.index_cast %add3A_878 : i32 to index
        %get3A_916 = arith.constant 0 : index
        %get3A_917 = tpu.vector_load %arg18[%get3A_915, %get3A_916] {strides = array<i32>} : memref<128x128xf32, #tpu.memory_space<vmem>>, vector<1x16xf32>,
        %get3A_918 = vector.shape_cast %get3A_917 : vector<1x16xf32> to vector<16xf32>
        %swap3A_919 = arith.index_cast %add3A_878 : i32 to index
        %swap3A_920 = arith.constant 64 : index
        %swap3A_921 = tpu.vector_load %arg19[%swap3A_919, %swap3A_920] {strides = array<i32>} : memref<128x128xf32, #tpu.memory_space<vmem>>, vector<1x16xf32>,
        %swap3A_922 = vector.shape_cast %swap3A_921 : vector<1x16xf32> to vector<16xf32>
        %swap3A_923 = vector.shape_cast %get3A_918 : vector<16xf32> to vector<1x16xf32>
        tpu.vector_store %arg19[%swap3A_919, %swap3A_920], %swap3A_923 {strides = array<i32>} : memref<128x128xf32, #tpu.memory_space<vmem>>, vector<1x16xf32>,
        %get3A_924 = arith.index_cast %add3A_878 : i32 to index
        %get3A_925 = arith.constant 16 : index
        %get3A_926 = tpu.vector_load %arg18[%get3A_924, %get3A_925] {strides = array<i32>} : memref<128x128xf32, #tpu.memory_space<vmem>>, vector<1x16xf32>,
        %get3A_927 = vector.shape_cast %get3A_926 : vector<1x16xf32> to vector<16xf32>
        %swap3A_928 = arith.index_cast %add3A_878 : i32 to index
        %swap3A_929 = arith.constant 80 : index
        %swap3A_930 = tpu.vector_load %arg19[%swap3A_928, %swap3A_929] {strides = array<i32>} : memref<128x128xf32, #tpu.memory_space<vmem>>, vector<1x16xf32>,
        %swap3A_931 = vector.shape_cast %swap3A_930 : vector<1x16xf32> to vector<16xf32>
        %swap3A_932 = vector.shape_cast %get3A_927 : vector<16xf32> to vector<1x16xf32>
        tpu.vector_store %arg19[%swap3A_928, %swap3A_929], %swap3A_932 {strides = array<i32>} : memref<128x128xf32, #tpu.memory_space<vmem>>, vector<1x16xf32>,
        %mul3A_933 = arith.constant 16 : i32
        %mul3A_934 = arith.muli %scan3A_63, %mul3A_933 : i32
        %add3A_935 = arith.constant 15 : i32
        %add3A_936 = arith.addi %mul3A_934, %add3A_935 : i32
        %get3A_937 = arith.index_cast %add3A_936 : i32 to index
        %get3A_938 = arith.constant 0 : index
        %get3A_939 = tpu.vector_load %arg16[%get3A_937, %get3A_938] {strides = array<i32>} : memref<128x128xf32, #tpu.memory_space<vmem>>, vector<1x16xf32>,
        %get3A_940 = vector.shape_cast %get3A_939 : vector<1x16xf32> to vector<16xf32>
        %swap3A_941 = arith.index_cast %add3A_936 : i32 to index
        %swap3A_942 = arith.constant 0 : index
        %swap3A_943 = tpu.vector_load %arg19[%swap3A_941, %swap3A_942] {strides = array<i32>} : memref<128x128xf32, #tpu.memory_space<vmem>>, vector<1x16xf32>,
        %swap3A_944 = vector.shape_cast %swap3A_943 : vector<1x16xf32> to vector<16xf32>
        %swap3A_945 = vector.shape_cast %get3A_940 : vector<16xf32> to vector<1x16xf32>
        tpu.vector_store %arg19[%swap3A_941, %swap3A_942], %swap3A_945 {strides = array<i32>} : memref<128x128xf32, #tpu.memory_space<vmem>>, vector<1x16xf32>,
        %get3A_946 = arith.index_cast %add3A_936 : i32 to index
        %get3A_947 = arith.constant 16 : index
        %get3A_948 = tpu.vector_load %arg16[%get3A_946, %get3A_947] {strides = array<i32>} : memref<128x128xf32, #tpu.memory_space<vmem>>, vector<1x16xf32>,
        %get3A_949 = vector.shape_cast %get3A_948 : vector<1x16xf32> to vector<16xf32>
        %swap3A_950 = arith.index_cast %add3A_936 : i32 to index
        %swap3A_951 = arith.constant 16 : index
        %swap3A_952 = tpu.vector_load %arg19[%swap3A_950, %swap3A_951] {strides = array<i32>} : memref<128x128xf32, #tpu.memory_space<vmem>>, vector<1x16xf32>,
        %swap3A_953 = vector.shape_cast %swap3A_952 : vector<1x16xf32> to vector<16xf32>
        %swap3A_954 = vector.shape_cast %get3A_949 : vector<16xf32> to vector<1x16xf32>
        tpu.vector_store %arg19[%swap3A_950, %swap3A_951], %swap3A_954 {strides = array<i32>} : memref<128x128xf32, #tpu.memory_space<vmem>>, vector<1x16xf32>,
        %get3A_955 = arith.index_cast %add3A_936 : i32 to index
        %get3A_956 = arith.constant 0 : index
        %get3A_957 = tpu.vector_load %arg17[%get3A_955, %get3A_956] {strides = array<i32>} : memref<128x128xf32, #tpu.memory_space<vmem>>, vector<1x16xf32>,
        %get3A_958 = vector.shape_cast %get3A_957 : vector<1x16xf32> to vector<16xf32>
        %swap3A_959 = arith.index_cast %add3A_936 : i32 to index
        %swap3A_960 = arith.constant 32 : index
        %swap3A_961 = tpu.vector_load %arg19[%swap3A_959, %swap3A_960] {strides = array<i32>} : memref<128x128xf32, #tpu.memory_space<vmem>>, vector<1x16xf32>,
        %swap3A_962 = vector.shape_cast %swap3A_961 : vector<1x16xf32> to vector<16xf32>
        %swap3A_963 = vector.shape_cast %get3A_958 : vector<16xf32> to vector<1x16xf32>
        tpu.vector_store %arg19[%swap3A_959, %swap3A_960], %swap3A_963 {strides = array<i32>} : memref<128x128xf32, #tpu.memory_space<vmem>>, vector<1x16xf32>,
        %get3A_964 = arith.index_cast %add3A_936 : i32 to index
        %get3A_965 = arith.constant 16 : index
        %get3A_966 = tpu.vector_load %arg17[%get3A_964, %get3A_965] {strides = array<i32>} : memref<128x128xf32, #tpu.memory_space<vmem>>, vector<1x16xf32>,
        %get3A_967 = vector.shape_cast %get3A_966 : vector<1x16xf32> to vector<16xf32>
        %swap3A_968 = arith.index_cast %add3A_936 : i32 to index
        %swap3A_969 = arith.constant 48 : index
        %swap3A_970 = tpu.vector_load %arg19[%swap3A_968, %swap3A_969] {strides = array<i32>} : memref<128x128xf32, #tpu.memory_space<vmem>>, vector<1x16xf32>,
        %swap3A_971 = vector.shape_cast %swap3A_970 : vector<1x16xf32> to vector<16xf32>
        %swap3A_972 = vector.shape_cast %get3A_967 : vector<16xf32> to vector<1x16xf32>
        tpu.vector_store %arg19[%swap3A_968, %swap3A_969], %swap3A_972 {strides = array<i32>} : memref<128x128xf32, #tpu.memory_space<vmem>>, vector<1x16xf32>,
        %get3A_973 = arith.index_cast %add3A_936 : i32 to index
        %get3A_974 = arith.constant 0 : index
        %get3A_975 = tpu.vector_load %arg18[%get3A_973, %get3A_974] {strides = array<i32>} : memref<128x128xf32, #tpu.memory_space<vmem>>, vector<1x16xf32>,
        %get3A_976 = vector.shape_cast %get3A_975 : vector<1x16xf32> to vector<16xf32>
        %swap3A_977 = arith.index_cast %add3A_936 : i32 to index
        %swap3A_978 = arith.constant 64 : index
        %swap3A_979 = tpu.vector_load %arg19[%swap3A_977, %swap3A_978] {strides = array<i32>} : memref<128x128xf32, #tpu.memory_space<vmem>>, vector<1x16xf32>,
        %swap3A_980 = vector.shape_cast %swap3A_979 : vector<1x16xf32> to vector<16xf32>
        %swap3A_981 = vector.shape_cast %get3A_976 : vector<16xf32> to vector<1x16xf32>
        tpu.vector_store %arg19[%swap3A_977, %swap3A_978], %swap3A_981 {strides = array<i32>} : memref<128x128xf32, #tpu.memory_space<vmem>>, vector<1x16xf32>,
        %get3A_982 = arith.index_cast %add3A_936 : i32 to index
        %get3A_983 = arith.constant 16 : index
        %get3A_984 = tpu.vector_load %arg18[%get3A_982, %get3A_983] {strides = array<i32>} : memref<128x128xf32, #tpu.memory_space<vmem>>, vector<1x16xf32>,
        %get3A_985 = vector.shape_cast %get3A_984 : vector<1x16xf32> to vector<16xf32>
        %swap3A_986 = arith.index_cast %add3A_936 : i32 to index
        %swap3A_987 = arith.constant 80 : index
        %swap3A_988 = tpu.vector_load %arg19[%swap3A_986, %swap3A_987] {strides = array<i32>} : memref<128x128xf32, #tpu.memory_space<vmem>>, vector<1x16xf32>,
        %swap3A_989 = vector.shape_cast %swap3A_988 : vector<1x16xf32> to vector<16xf32>
        %swap3A_990 = vector.shape_cast %get3A_985 : vector<16xf32> to vector<1x16xf32>
        tpu.vector_store %arg19[%swap3A_986, %swap3A_987], %swap3A_990 {strides = array<i32>} : memref<128x128xf32, #tpu.memory_space<vmem>>, vector<1x16xf32>,
      }
      %scan3A_62 = arith.constant 8 : i32
      "tpu.region"() ({
        %run_scoped3A = tpu.sem_alloc : memref<!tpu.dma_semaphore, #tpu.memory_space<semaphore_mem>>
        %dma_start3A_63 = arith.constant 0 : i32
        %dma_start3A_64 = tpu.memref_slice %arg10[%add3A_22, %dma_start3A_63] : memref<204800x128xf32, #tpu.memory_space<hbm>> -> memref<128x128xf32, #tpu.memory_space<hbm>>
        %dma_start3A_65 = arith.constant 0 : i32
        %dma_start3A_66 = tpu.memref_slice %arg10[%add3A_22, %dma_start3A_65] : memref<204800x128xf32, #tpu.memory_space<hbm>> -> memref<128x128xf32, #tpu.memory_space<hbm>>
        tpu.enqueue_dma source(%arg19 : memref<128x128xf32, #tpu.memory_space<vmem>>) target(%dma_start3A_66 : memref<128x128xf32, #tpu.memory_space<hbm>>) target_semaphore(%run_scoped3A : memref<!tpu.dma_semaphore, #tpu.memory_space<semaphore_mem>>)
        %dma_wait3A_67 = arith.constant 0 : i32
        %dma_wait3A_68 = tpu.memref_slice %arg10[%add3A_22, %dma_wait3A_67] : memref<204800x128xf32, #tpu.memory_space<hbm>> -> memref<128x128xf32, #tpu.memory_space<hbm>>
        %dma_wait3A_69 = arith.constant 0 : i32
        %dma_wait3A_70 = tpu.memref_slice %arg10[%add3A_22, %dma_wait3A_69] : memref<204800x128xf32, #tpu.memory_space<hbm>> -> memref<128x128xf32, #tpu.memory_space<hbm>>
        tpu.wait_dma2 semaphore(%run_scoped3A : memref<!tpu.dma_semaphore, #tpu.memory_space<semaphore_mem>>) src(%arg19 : memref<128x128xf32, #tpu.memory_space<vmem>>) dst(%dma_wait3A_70 : memref<128x128xf32, #tpu.memory_space<hbm>>)
        tpu.yield
      }) : () -> ()
    }
    %scan3A_16 = arith.constant 50 : i32
    return
  }
}

module attributes {stable_mosaic.version = 14 : i64} {
  func.func @_tc_body(%arg0: i32, %arg1: memref<32x2048xf32, #tpu.memory_space<vmem>>, %arg2: memref<32x2048xf32, #tpu.memory_space<vmem>>, %arg3: memref<32x2048xf32, #tpu.memory_space<vmem>>, %arg4: memref<2048x128xf32, #tpu.memory_space<vmem>>, %arg5: memref<2048x128xf32, #tpu.memory_space<vmem>>, %arg6: memref<2048x128xf32, #tpu.memory_space<vmem>>) attributes {dimension_semantics = [#tpu.dimension_semantics<arbitrary>], iteration_bounds = array<i64: 489>, scalar_prefetch = 0 : i64, scratch_operands = 0 : i64, tpu.core_type = #tpu.core_type<tc>, window_params = [{transform_indices = @transform_0, window_bounds = array<i64: 32, 2048>}, {transform_indices = @transform_1, window_bounds = array<i64: 32, 2048>}, {transform_indices = @transform_2, window_bounds = array<i64: 32, 2048>}, {transform_indices = @transform_3, window_bounds = array<i64: 2048, 128>}, {transform_indices = @transform_4, window_bounds = array<i64: 2048, 128>}, {transform_indices = @transform_5, window_bounds = array<i64: 2048, 128>}]} {
    %iota3A = tpu.iota {dimensions = array<i32: 0>} : vector<32x32xi32>
    %iota3A_0 = tpu.iota {dimensions = array<i32: 1>} : vector<32x32xi32>
    %add3A = arith.constant 0 : i32
    %add3A_1 = vector.broadcast %add3A : i32 to vector<32x32xi32>
    %add3A_2 = arith.addi %iota3A, %add3A_1 : vector<32x32xi32>
    %eq3A = arith.cmpi eq, %add3A_2, %iota3A_0 : vector<32x32xi32>
    %convert_element_type3A = arith.extui %eq3A : vector<32x32xi1> to vector<32x32xi32>
    %convert_element_type3A_3 = arith.sitofp %convert_element_type3A : vector<32x32xi32> to vector<32x32xf32>
    %tile3A = tpu.concatenate %convert_element_type3A_3, %convert_element_type3A_3, %convert_element_type3A_3, %convert_element_type3A_3 in 1 : vector<32x32xf32>, vector<32x32xf32>, vector<32x32xf32>, vector<32x32xf32> -> vector<32x128xf32>
    %get3A = arith.constant 0 : index
    %get3A_4 = arith.constant 0 : index
    %get3A_5 = vector.load %arg1[%get3A, %get3A_4] : memref<32x2048xf32, #tpu.memory_space<vmem>>, vector<32x2048xf32>
    %dot_general3A = arith.constant dense<0.000000e+00> : vector<2048x128xf32>
    %dot_general3A_6 = tpu.matmul %get3A_5, %tile3A, %dot_general3A {dimension_numbers = #tpu.dot_dimension_numbers<[0], [0], [1], [1], [0, 1, 1, 1], [], []>, transpose_lhs_hint = false} : vector<32x2048xf32>, vector<32x128xf32>, vector<2048x128xf32> -> vector<2048x128xf32>
    %swap3A = arith.constant 0 : index
    %swap3A_7 = arith.constant 0 : index
    %swap3A_8 = vector.load %arg4[%swap3A, %swap3A_7] : memref<2048x128xf32, #tpu.memory_space<vmem>>, vector<2048x128xf32>
    tpu.vector_store %arg4[%swap3A, %swap3A_7], %dot_general3A_6 {strides = array<i32>} : memref<2048x128xf32, #tpu.memory_space<vmem>>, vector<2048x128xf32>,
    %get3A_9 = arith.constant 0 : index
    %get3A_10 = arith.constant 0 : index
    %get3A_11 = vector.load %arg2[%get3A_9, %get3A_10] : memref<32x2048xf32, #tpu.memory_space<vmem>>, vector<32x2048xf32>
    %dot_general3A_12 = arith.constant dense<0.000000e+00> : vector<2048x128xf32>
    %dot_general3A_13 = tpu.matmul %get3A_11, %tile3A, %dot_general3A_12 {dimension_numbers = #tpu.dot_dimension_numbers<[0], [0], [1], [1], [0, 1, 1, 1], [], []>, transpose_lhs_hint = false} : vector<32x2048xf32>, vector<32x128xf32>, vector<2048x128xf32> -> vector<2048x128xf32>
    %swap3A_14 = arith.constant 0 : index
    %swap3A_15 = arith.constant 0 : index
    %swap3A_16 = vector.load %arg5[%swap3A_14, %swap3A_15] : memref<2048x128xf32, #tpu.memory_space<vmem>>, vector<2048x128xf32>
    tpu.vector_store %arg5[%swap3A_14, %swap3A_15], %dot_general3A_13 {strides = array<i32>} : memref<2048x128xf32, #tpu.memory_space<vmem>>, vector<2048x128xf32>,
    %get3A_17 = arith.constant 0 : index
    %get3A_18 = arith.constant 0 : index
    %get3A_19 = vector.load %arg3[%get3A_17, %get3A_18] : memref<32x2048xf32, #tpu.memory_space<vmem>>, vector<32x2048xf32>
    %dot_general3A_20 = arith.constant dense<0.000000e+00> : vector<2048x128xf32>
    %dot_general3A_21 = tpu.matmul %get3A_19, %tile3A, %dot_general3A_20 {dimension_numbers = #tpu.dot_dimension_numbers<[0], [0], [1], [1], [0, 1, 1, 1], [], []>, transpose_lhs_hint = false} : vector<32x2048xf32>, vector<32x128xf32>, vector<2048x128xf32> -> vector<2048x128xf32>
    %swap3A_22 = arith.constant 0 : index
    %swap3A_23 = arith.constant 0 : index
    %swap3A_24 = vector.load %arg6[%swap3A_22, %swap3A_23] : memref<2048x128xf32, #tpu.memory_space<vmem>>, vector<2048x128xf32>
    tpu.vector_store %arg6[%swap3A_22, %swap3A_23], %dot_general3A_21 {strides = array<i32>} : memref<2048x128xf32, #tpu.memory_space<vmem>>, vector<2048x128xf32>,
    return
  }
  func.func @transform_0(%arg0: i32) -> (i32, i32) {
    %c0_i32 = arith.constant 0 : i32
    %c0_i32_0 = arith.constant 0 : i32
    return %c0_i32, %arg0 : i32, i32
  }
  func.func @transform_1(%arg0: i32) -> (i32, i32) {
    %c0_i32 = arith.constant 0 : i32
    %c0_i32_0 = arith.constant 0 : i32
    return %c0_i32, %arg0 : i32, i32
  }
  func.func @transform_2(%arg0: i32) -> (i32, i32) {
    %c0_i32 = arith.constant 0 : i32
    %c0_i32_0 = arith.constant 0 : i32
    return %c0_i32, %arg0 : i32, i32
  }
  func.func @transform_3(%arg0: i32) -> (i32, i32) {
    %c0_i32 = arith.constant 0 : i32
    %c0_i32_0 = arith.constant 0 : i32
    return %arg0, %c0_i32 : i32, i32
  }
  func.func @transform_4(%arg0: i32) -> (i32, i32) {
    %c0_i32 = arith.constant 0 : i32
    %c0_i32_0 = arith.constant 0 : i32
    return %arg0, %c0_i32 : i32, i32
  }
  func.func @transform_5(%arg0: i32) -> (i32, i32) {
    %c0_i32 = arith.constant 0 : i32
    %c0_i32_0 = arith.constant 0 : i32
    return %arg0, %c0_i32 : i32, i32
  }
}

</mosaic_0001>

<sc_bundles>
// kernel: _run.4.cloned.1.call-start
scs
__scs_entry_jumppad:
0x0: {  	(pc) =	sbr.rel $0x88, $3  }
0x1: {  	(tag) =	ssettag $0x0;
	lr =	simm.s32 $0x1  }
0x2: {  	[smem:$0x3F9A] =	sst lr;
	_ =	strace $0xD0000000  }
0x3: {  	_ = 	snop  }
0x4: {  	_ = 	snop  }
0x5: {  	_ = 	snop  }
0x6: {  	_ = 	snop  }
0x7: {  	_ = 	snop  }
__scs_overlays_trampoline_lowered:
0x8: {  	[smem:$0x3FA9] =	sst s0  }
0x9: {  	[smem:$0x3FAA] =	sst s1  }
0xa: {  	[smem:$0x3FAB] =	sst s2  }
0xb: {  	[smem:$0x3FAC] =	sst s3  }
0xc: {  	[smem:$0x3FAD] =	sst s4  }
0xd: {  	[smem:$0x3FAE] =	sst s5  }
0xe: {  	[smem:$0x3FAF] =	sst s6  }
0xf: {  	[smem:$0x3FB0] =	sst s7  }
0x10: {  	[smem:$0x3FB1] =	sst s8  }
0x11: {  	[smem:$0x3FB2] =	sst s9;
	s0 =	simm.s32 @!p0 $0x0  }
0x12: {  	s1 =	sld [smem:$0x3F98];
	s0 =	simm.s32 @p0 $0x1  }
0x13: {  	[smem:$0x3FB3] =	sst s0;
	s0 =	simm.s32 @!p1 $0x0  }
0x14: {  	s2 =	sld [smem:$0x3F97];
	s0 =	simm.s32 @p1 $0x1  }
0x15: {  	[smem:$0x3FB4] =	sst s0;
	s0 =	simm.s32 @!p2 $0x0  }
0x16: {  	s3 =	sld [smem:$0x3FDB];
	s0 =	simm.s32 @p2 $0x1  }
0x17: {  	s4 =	simm.s32 $0x1BF5;
	[smem:$0x3FB6] =	sst s0  }
0x18: {  	s0 =	sld [smem:$0x3F99];
	_ =	swait.ge [sflag:s4], $0x0  }
0x19: {  	s7 =	sld [smem:$0x3F9A]  }
0x1a: {  	s8 =	sadd.s32 $0xFFFFE003, lr  }
0x1b: {  	s9 =	sadd.s32 $0xFFFFFEF7, lr;
	s5 =	simm.s32 $0xFFFFFFFF;
	p2 =	slt.u32 s8, $0xFFFFF086  }
0x1c: {  	p1 =	slt.u32 s9, $0xF7A;
	s5 =	simm.s32 @!p2 $0x0  }
0x1d: {  	s5 =	simm.s32 @p1 $0x1;
	p0 =	seq.s32 s7, s2  }
0x1e: {  	s7 =	smul.u32 @!p0 $0xF7A, s2;
	p2 =	seq.s32 @!p0 s5, $0x0  }
0x1f: {  	s9 =	smul.u32 $0xF7A, s1;
	s8 =	simm.s32 @!p0 $0x1BF5;
	p2 =	por !p2, p0  }
0x20: {  	[sflag:s8] =	ssyncset.s32 @!p0 $0xFFFFF086;
	s6 =	sadd.s32 @!p0 s3, s7;
	s7 =	simm.s32 @!p0 $0x108  }
0x21: {  	s3 =	sadd.s32 s3, s9;
	s6 =	sadd.s32 @!p0 $0x88, s6;
	s7 =	simm.s32 @p2 $0x1082  }
0x22: {  	[simem:s7], [sflag:s8] =	dma.local @!p0 [hbm:s6], $0xF7A  }
0x23: {  	s9 =	sor.u32 $0xD0000000, s2;
	s6 =	simm.s32 $0x108;
	_ =	swait.ge @!p0 [sflag:s8], $0x0  }
0x24: {  	s3 =	sadd.s32 $0x88, s3;
	s6 =	simm.s32 @!p1 $0x1082;
	[sflag:s4] =	ssyncset.s32 $0xFFFFF086  }
0x25: {  	[simem:s6], [sflag:s4] =	dma.local [hbm:s3], $0xF7A  }
0x26: {  	[smem:$0x3F9A] =	sst s1;
	(tag) =	ssettag s2;
	_ =	strace s9  }
0x27: {  	s1 =	sld [smem:$0x3FAA]  }
0x28: {  	s2 =	sld [smem:$0x3FAB]  }
0x29: {  	s4 =	sld [smem:$0x3FAD]  }
0x2a: {  	p0 =	seq.s32 s5, $0x0;
	s5 =	sld [smem:$0x3FAE]  }
0x2b: {  	s6 =	sld [smem:$0x3FAF]  }
0x2c: {  	s7 =	sld [smem:$0x3FB0]  }
0x2d: {  	s3 =	simm.s32 $0x108;
	s8 =	sld [smem:$0x3FB1]  }
0x2e: {  	s3 =	simm.s32 @!p0 $0x1082;
	s9 =	sld [smem:$0x3FB2]  }
0x2f: {  	lr =	sadd.s32 s0, s3;
	s0 =	sld [smem:$0x3FA9]  }
0x30: {  	s3 =	sld [smem:$0x3FAC]  }
0x31: {  	[smem:$0x3FB5] =	sst s10  }
0x32: {  	s10 =	sld [smem:$0x3FB3];
	_ =	sdelay $0x3  }
0x33: {  	p0 =	seq.s32 s10, $0x1;
	s10 =	sld [smem:$0x3FB5];
	_ =	sdelay $0x3  }
0x34: {  	[smem:$0x3FB5] =	sst s10  }
0x35: {  	s10 =	sld [smem:$0x3FB4];
	_ =	sdelay $0x3  }
0x36: {  	p1 =	seq.s32 s10, $0x1;
	s10 =	sld [smem:$0x3FB5];
	_ =	sdelay $0x3  }
0x37: {  	[smem:$0x3FB5] =	sst s10  }
0x38: {  	s10 =	sld [smem:$0x3FB6]  }
0x39: {  	_ = 	snop;
	(pc) =	sbr.ind lr, $3  }
0x3a: {  	_ = 	snop  }
0x3b: {  	_ = 	snop  }
0x3c: {  	p2 =	seq.s32 s10, $0x1;
	s10 =	sld [smem:$0x3FB5]  }
0x3d: {  	_ =	shalt  }
0x3e: {  	_ =	shalt  }
0x3f: {  	_ =	shalt  }
0x40: {  	_ =	shalt  }
0x41: {  	_ =	shalt  }
0x42: {  	_ =	shalt  }
0x43: {  	_ =	shalt  }
0x44: {  	_ =	shalt  }
0x45: {  	_ =	shalt  }
0x46: {  	_ =	shalt  }
0x47: {  	_ =	shalt  }
0x48: {  	_ =	shalt  }
0x49: {  	_ =	shalt  }
0x4a: {  	_ =	shalt  }
0x4b: {  	_ =	shalt  }
0x4c: {  	_ =	shalt  }
0x4d: {  	_ =	shalt  }
0x4e: {  	_ =	shalt  }
0x4f: {  	_ =	shalt  }
0x50: {  	_ =	shalt  }
0x51: {  	_ =	shalt  }
0x52: {  	_ =	shalt  }
0x53: {  	_ =	shalt  }
0x54: {  	_ =	shalt  }
0x55: {  	_ =	shalt  }
0x56: {  	_ =	shalt  }
0x57: {  	_ =	shalt  }
0x58: {  	_ =	shalt  }
0x59: {  	_ =	shalt  }
0x5a: {  	_ =	shalt  }
0x5b: {  	_ =	shalt  }
0x5c: {  	_ =	shalt  }
0x5d: {  	_ =	shalt  }
0x5e: {  	_ =	shalt  }
0x5f: {  	_ =	shalt  }
0x60: {  	_ =	shalt  }
0x61: {  	_ =	shalt  }
0x62: {  	_ =	shalt  }
0x63: {  	_ =	shalt  }
0x64: {  	_ =	shalt  }
0x65: {  	_ =	shalt  }
0x66: {  	_ =	shalt  }
0x67: {  	_ =	shalt  }
0x68: {  	_ =	shalt  }
0x69: {  	_ =	shalt  }
0x6a: {  	_ =	shalt  }
0x6b: {  	_ =	shalt  }
0x6c: {  	_ =	shalt  }
0x6d: {  	_ =	shalt  }
0x6e: {  	_ =	shalt  }
0x6f: {  	_ =	shalt  }
0x70: {  	_ =	shalt  }
0x71: {  	_ =	shalt  }
0x72: {  	_ =	shalt  }
0x73: {  	_ =	shalt  }
0x74: {  	_ =	shalt  }
0x75: {  	_ =	shalt  }
0x76: {  	_ =	shalt  }
0x77: {  	_ =	shalt  }
0x78: {  	_ =	shalt  }
0x79: {  	_ =	shalt  }
0x7a: {  	_ =	shalt  }
0x7b: {  	_ =	shalt  }
0x7c: {  	_ =	shalt  }
0x7d: {  	_ =	shalt  }
0x7e: {  	_ =	shalt  }
0x7f: {  	_ =	shalt  }
0x80: {  	_ =	shalt  }
0x81: {  	_ =	shalt  }
0x82: {  	_ =	shalt  }
0x83: {  	_ =	shalt  }
0x84: {  	_ =	shalt  }
0x85: {  	_ =	shalt  }
0x86: {  	_ =	shalt  }
0x87: {  	_ =	shalt  }
.Lfunc_end0:
.L_simem_size_0:
called_computation_lowered:
.L_overlay_start_0:
0x88: {  	s2 =	sld [smem:$0x3FD9]  }
0x89: {  	s3 =	sld [smem:$0x3FFE];
	_ =	sdelay $0x1  }
0x8a: {  	s1 =	srdreg.scid  }
0x8b: {  	s0 =	sand.u32 $0x1, s1  }
0x8c: {  	s17 =	sshll.u32 s0, $0xA;
	s2 =	sadd.s32 s3, s2  }
0x8d: {  	s2 =	sadd.s32 s2, s17  }
0x8e: {  	[smem:$0x3FC1] =	sst s2  }
0x8f: {  	_ = 	snop  }
0x90: {  	s2 =	sld [smem:$0x3FD0];
	(tm) =	ssettm $0x1  }
0x91: {  	s18 =	sld [smem:$0x3FFB];
	_ =	sdelay $0x3  }
0x92: {  	_ =	strace s18  }
0x93: {  	s3 =	sld [smem:$0x3FFC];
	_ =	sdelay $0x3  }
0x94: {  	_ =	strace s3  }
0x95: {  	s3 =	sld [smem:$0x3FFD];
	_ =	sdelay $0x3  }
0x96: {  	_ =	strace s3  }
0x97: {  	_ =	strace $0x8FFFFFFF  }
0x98: {  	s19 =	sld [smem:$0x3FDB];
	_ =	sdelay $0x1  }
0x99: {  	s4 =	simm.s32 $_scs_section_size  }
0x9a: {  	s5 =	simm.s32 $_size__tile_overlayer_lowered;
	s6 =	simm.s32 $_tile_overlayer_lowered  }
0x9b: {  	s22 =	simm.s32 $0x1BFF;
	s21 =	sshll.u32 s6, $0x1;
	s3 =	sadd.s32 s4, s19  }
0x9c: {  	s7 =	simm.s32 $0x0;
	s20 =	sshll.u32 s5, $0x1;
	s5 =	sadd.s32 s21, s3  }
0x9d: {  	[timem:s7], [sflag:s22] =	dma.local [hbm:s5], s20  }
0x9e: {  	_ =	swait.ge [sflag:s22], s20  }
0x9f: {  	s4 =	ssub.s32 $0x0, s20;
	[sflag:s22] =	ssyncset.done $0x0  }
0xa0: {  	[sflag:s22] =	ssyncadd.s32 s4;
	_ =	sdelay $0x1  }
0xa1: {  	s23 =	simm.s32 $0x1B8B  }
0xa2: {  	_ =	swait.ge [sflag:s23], $0x1  }
0xa3: {  	[sflag:s23] =	ssyncset.done $0x0  }
0xa4: {  	s25 =	simm.s32 $0x1B8E;
	s24 =	sld [smem:$0x3FFE];
	[sflag:s23] =	ssyncadd.s32 $0xFFFFFFFF  }
0xa5: {  	s26 =	simm.s32 $execute0_lowered;
	[smem:$0x3FD2] =	sst s25  }
0xa6: {  	s5 =	sshll.u32 s26, $0x1;
	_ =	strace $0x80000046;
	[dreg:$0x1] =	wrdreg $0xFFFFFFFF  }
0xa7: {  	s28 =	simm.s32 $_size_execute0_lowered;
	s3 =	sadd.s32 s3, s5;
	[dreg:$0x0] =	wrdreg $0x0  }
0xa8: {  	s5 =	sshll.u32 s28, $0x1;
	[dreg:$0x2] =	wrdreg s3  }
0xa9: {  	[dreg:$0x3] =	wrdreg s5  }
0xaa: {  	[dreg:$0x4] =	wrdreg $0xC0  }
0xab: {  	_ =	task [dreg:s7], $0x5FFFF  }
0xac: {  	[dreg:$0x1] =	wrdreg $0xFFFFFFFF  }
0xad: {  	[dreg:$0x0] =	wrdreg $0x60  }
0xae: {  	[dreg:$0x2] =	wrdreg s24  }
0xaf: {  	[dreg:$0x3] =	wrdreg s2  }
0xb0: {  	[dreg:$0x4] =	wrdreg $0x9  }
0xb1: {  	_ =	task.clear_ibuf [dreg:s7], $0x5FFFF;
	_ =	strace $0x90000046  }
0xb2: {  	s29 =	simm.s32 $0x9;
	_ =	strace $0x80000048  }
0xb3: {  	_ =	swait.ge [sflag:s29], $0x1  }
0xb4: {  	[sflag:s29] =	ssyncadd.s32 $0xFFFFFFFF  }
0xb5: {  	_ =	strace $0x90000048  }
0xb6: {  	_ =	sfence  }
0xb7: {  	s30 =	sld [smem:$0x0];
	_ =	sdelay $0x2  }
0xb8: {  	s31 =	sshll.u32 s1, $0xD;
	s1 =	sshrl.u32 s1, $0x2  }
0xb9: {  	s3 =	sand.u32 $0x4000, s31;
	s1 =	sadd.s32 s1, s30  }
0xba: {  	s0 =	sor.u32 s3, s0;
	s1 =	sshll.u32 s1, $0x11  }
0xbb: {  	s0 =	sor.u32 s1, s0  }
0xbc: {  	s0 =	sadd.s32 $0x8F2B, s0  }
0xbd: {  	[sflag:s0] =	ssyncadd.remote.s32 $0x1  }
0xbe: {  	_ =	sfence.sel $0xFFFF  }
0xbf: {  	[dreg:$0x0] =	wrdreg $0xFFFFFFFF;
	(pc) =	sbr.abs _section_cstart, $3  }
0xc0: {  	[dreg:$0x1] =	wrdreg $0xFFFFFFFF  }
0xc1: {  	_ =	task.clear_ibuf [dreg:s7], $0x2FFFF;
	_ =	strace $0x9FFFFFFF  }
0xc2: {  	(tm) =	ssettm $0x7FFFFFFF  }
0xc3: {  	_ =	shalt  }
tec
execute0_lowered:
.L_overlay_start_1:
0x0: {  	(tag) =	ssettag $0x1  }
0x1: {  	s11 =	rddreg [dreg:$0x0]  }
0x2: {  	s1 =	rddreg [dreg:$0x1]  }
0x3: {  	s0 =	rddreg [dreg:$0x2];
	s2 =	simm.s32 $0x0;
	s9 =	srdreg.scid  }
0x4: {  	s5 =	stileid.u32;
	s16 =	simm.s32 $0x180;
	s17 =	simm.s32 $0x80  }
0x5: {  	s18 =	simm.s32 $0x100;
	s19 =	simm.s32 $0x280;
	s20 =	simm.s32 $0x4280  }
0x6: {  	s21 =	simm.s32 $0x8280;
	s22 =	simm.s32 $0x1;
	s23 =	simm.s32 $0xC280  }
0x7: {  	s24 =	simm.s32 $0x0;
	[smem:$0x7FF] =	sst s2;
	s3 =	sadd.s32 $0x13400, s11  }
0x8: {  	s4 =	sadd.s32 $0xD000, s11;
	s6 =	sadd.s32 $0x6C00, s11;
	s7 =	sadd.s32 $0x800, s11  }
0x9: {  	s8 =	sadd.s32 $0x19A00, s11;
	s12 =	sand.u32 $0x1, s9;
	s9 =	sadd.s32 $0xF61A00, s11  }
0xa: {  	s14 =	sshll.u32 s5, $0x1;
	s10 =	sadd.s32 $0x1EA9A00, s11;
	s13 =	ssub.s32 $0x2, s12  }
0xb: {  	s11 =	sadd.s32 $0x19800, s11;
	_ =	strace $0x80000047;
	s15 =	sshrl.u32 s13, $0x1  }
0xc: {  	s12 =	sor.u32 s12, s14;
	s14 =	simm.s32 $0x200;
	s13 =	ssub.s32 s13, s15  }
0xd: {  	s12 =	smul.u32 $0x1900, s12;
	s15 =	simm.s32 $0x2;
	s13 =	smax.u32 s13, $0x1  }
.LBB2_1:
0xe: {  	[tilespmem:s14], [sflag:$0x2] =	stream.linear.gather [hbm4b:s11+s2], $0x80, $0x38;
	[tilespmem:$0x10280] =	vst v63  }
0xf: {  	_ =	swait.ge [sflag:s15], $0x80  }
0x10: {  	[sflag:s15] =	ssyncset.done $0x0  }
0x11: {  	[sflag:s15] =	ssyncadd.s32 $0xFFFFFF80  }
0x12: {  	v0 =	vld [tilespmem:$0x200]  }
0x13: {  	v1 =	vld [tilespmem:$0x210]  }
0x14: {  	v2 =	vld [tilespmem:$0x220]  }
0x15: {  	s25 =	simm.s32 $0x0;
	v3 =	vld [tilespmem:$0x230]  }
.LBB2_2:
0x16: {  	s26 =	sshll.u32 s25, $0x7  }
0x17: {  	s26 =	sadd.s32 s12, s26  }
0x18: {  	s28 =	sshrl.u32 s26, $0x3  }
0x19: {  	s30 =	simm.s32 $0x0;
	s29 =	sadd.s32 s7, s28  }
0x1a: {  	[tilespmem:s16], [sflag:$0x2] =	stream.linear.gather [hbm4b:s29+s30], $0x80, $0x38;
	[tilespmem:$0x10280] =	vst v63  }
0x1b: {  	_ =	swait.ge [sflag:s15], $0x80  }
0x1c: {  	[sflag:s15] =	ssyncset.done $0x0  }
0x1d: {  	s29 =	sadd.s32 s3, s28;
	[sflag:s15] =	ssyncadd.s32 $0xFFFFFF80  }
0x1e: {  	[tilespmem:s30], [sflag:$0x2] =	stream.linear.gather [hbm4b:s29+s30], $0x80, $0x38;
	[tilespmem:$0x10280] =	vst v63  }
0x1f: {  	_ =	swait.ge [sflag:s15], $0x80  }
0x20: {  	[sflag:s15] =	ssyncset.done $0x0  }
0x21: {  	s29 =	sadd.s32 s4, s28;
	[sflag:s15] =	ssyncadd.s32 $0xFFFFFF80  }
0x22: {  	[tilespmem:s17], [sflag:$0x2] =	stream.linear.gather [hbm4b:s29+s30], $0x80, $0x38;
	[tilespmem:$0x10280] =	vst v63  }
0x23: {  	_ =	swait.ge [sflag:s15], $0x80  }
0x24: {  	[sflag:s15] =	ssyncset.done $0x0  }
0x25: {  	s28 =	sadd.s32 s6, s28;
	[sflag:s15] =	ssyncadd.s32 $0xFFFFFF80  }
0x26: {  	[tilespmem:s18], [sflag:$0x2] =	stream.linear.gather [hbm4b:s28+s30], $0x80, $0x38;
	[tilespmem:$0x10280] =	vst v63  }
0x27: {  	_ =	swait.ge [sflag:s15], $0x80  }
0x28: {  	[sflag:s15] =	ssyncset.done $0x0  }
0x29: {  	[sflag:s15] =	ssyncadd.s32 $0xFFFFFF80  }
0x2a: {  	[tilespmem:s19], [sflag:$0x1] =	stream.indirect.gather [hbm4b:s8+s17], $0x80, s30, s17, $0xb8;
	[tilespmem:$0x10280] =	vst v63  }
0x2b: {  	_ = 	snop  }
0x2c: {  	[tilespmem:s20], [sflag:$0x1] =	stream.indirect.gather [hbm4b:s9+s17], $0x80, s17, s17, $0xb8;
	[tilespmem:$0x10280] =	vst v63  }
0x2d: {  	s28 =	simm.s32 $0x0  }
0x2e: {  	[tilespmem:s21], [sflag:$0x1] =	stream.indirect.gather [hbm4b:s10+s17], $0x80, s18, s17, $0xb8;
	[tilespmem:$0x10280] =	vst v63  }
0x2f: {  	v4 =	vld [tilespmem:s28+$0x180];
	_ =	sdelay $0x4  }
0x30: {  	v5 =	vbroadcast v4, $0x0  }
0x31: {  	v6 =	vbroadcast v4, $0x1;
	v8 =	vbroadcast v4, $0x2  }
0x32: {  	v10 =	vbroadcast v4, $0x3;
	v7 =	vmul.f32 v5, v0  }
0x33: {  	v33 =	vbroadcast v4, $0x4;
	v5 =	vmul.f32 v5, v1  }
0x34: {  	v35 =	vbroadcast v4, $0x5;
	v9 =	vmul.f32 v6, v0;
	v7 =	vadd.f32 v7, v2  }
0x35: {  	s28 =	simm.s32 $0xC6E0;
	v42 =	vbroadcast v4, $0x7;
	v6 =	vmul.f32 v6, v1;
	v5 =	vadd.f32 v5, v3  }
0x36: {  	v46 =	vbroadcast v4, $0x9;
	v32 =	vmul.f32 v10, v0;
	v9 =	vadd.f32 v9, v2;
	[tilespmem:s28+$0xFFFFFC00] =	vst v7  }
0x37: {  	v11 =	vmul.f32 v8, v0;
	v36 =	vmul.f32 v33, v0;
	v6 =	vadd.f32 v6, v3;
	[tilespmem:s28+$0xFFFFFC10] =	vst v5  }
0x38: {  	v31 =	vmul.f32 v8, v1;
	v37 =	vmul.f32 v33, v1;
	v8 =	vadd.f32 v32, v2;
	[tilespmem:s28+$0xFFFFFC80] =	vst v9  }
0x39: {  	v34 =	vmul.f32 v10, v1;
	v39 =	vmul.f32 v35, v0;
	v10 =	vadd.f32 v36, v2;
	[tilespmem:s28+$0xFFFFFC90] =	vst v6  }
0x3a: {  	v45 =	vmul.f32 v42, v1;
	v40 =	vadd.f32 v37, v3;
	[tilespmem:s28+$0xFFFFFD80] =	vst v8  }
0x3b: {  	v60 =	vbroadcast v4, $0xE;
	v50 =	vmul.f32 v46, v0;
	v41 =	vadd.f32 v39, v2;
	[tilespmem:s28+$0xFFFFFE00] =	vst v10  }
0x3c: {  	v48 =	vadd.f32 v45, v3;
	[tilespmem:s28+$0xFFFFFE10] =	vst v40  }
0x3d: {  	v62 =	vmul.f32 v60, v1;
	v51 =	vadd.f32 v50, v2;
	[tilespmem:s28+$0xFFFFFE80] =	vst v41  }
0x3e: {  	v5 =	vadd.f32 v11, v2;
	[tilespmem:s28+$0xFFFFFF90] =	vst v48  }
0x3f: {  	v43 =	vbroadcast v4, $0x8;
	v63 =	vadd.f32 v62, v3;
	[tilespmem:s28+$0x80] =	vst v51  }
0x40: {  	v38 =	vbroadcast v4, $0x6;
	v44 =	vmul.f32 v42, v0;
	[tilespmem:s28+$0xFFFFFD00] =	vst v5;
	v5 =	vadd.f32 v34, v3  }
0x41: {  	v49 =	vbroadcast v4, $0xA;
	v47 =	vmul.f32 v43, v0;
	v7 =	vadd.f32 v31, v3;
	[tilespmem:s28+$0x310] =	vst v63  }
0x42: {  	v53 =	vbroadcast v4, $0xB;
	v10 =	vadd.f32 v44, v2;
	[tilespmem:s28+$0xFFFFFD90] =	vst v5;
	v5 =	vmul.f32 v38, v0  }
0x43: {  	v52 =	vmul.f32 v49, v0;
	v11 =	vadd.f32 v47, v2;
	[tilespmem:s28+$0xFFFFFD10] =	vst v7  }
0x44: {  	v55 =	vmul.f32 v53, v1;
	[tilespmem:s28+$0xFFFFFF80] =	vst v10;
	v5 =	vadd.f32 v5, v2  }
0x45: {  	v6 =	vmul.f32 v35, v1;
	v9 =	vadd.f32 v52, v2;
	[tilespmem:s28+$0x0] =	vst v11  }
0x46: {  	v8 =	vadd.f32 v55, v3;
	[tilespmem:s28+$0xFFFFFF00] =	vst v5;
	v5 =	vmul.f32 v43, v1  }
0x47: {  	v6 =	vadd.f32 v6, v3;
	v7 =	vmul.f32 v38, v1;
	[tilespmem:s28+$0x100] =	vst v9  }
0x48: {  	v54 =	vmul.f32 v53, v0;
	[tilespmem:s28+$0x190] =	vst v8;
	v5 =	vadd.f32 v5, v3  }
0x49: {  	v61 =	vmul.f32 v60, v0;
	v7 =	vadd.f32 v7, v3;
	[tilespmem:s28+$0xFFFFFE90] =	vst v6  }
0x4a: {  	v11 =	vadd.f32 v54, v2;
	v6 =	vmul.f32 v46, v1;
	[tilespmem:s28+$0x10] =	vst v5;
	v5 =	vbroadcast v4, $0xC  }
0x4b: {  	v56 =	vbroadcast v4, $0xD;
	v8 =	vadd.f32 v61, v2;
	[tilespmem:s28+$0xFFFFFF10] =	vst v7;
	v7 =	vmul.f32 v49, v1  }
0x4c: {  	[tilespmem:s28+$0x180] =	vst v11;
	v6 =	vadd.f32 v6, v3;
	v57 =	vmul.f32 v5, v0;
	v5 =	vmul.f32 v5, v1  }
0x4d: {  	v58 =	vmul.f32 v56, v0;
	[tilespmem:s28+$0x300] =	vst v8;
	v7 =	vadd.f32 v7, v3  }
0x4e: {  	[tilespmem:s28+$0x90] =	vst v6;
	v6 =	vmul.f32 v56, v1;
	v4 =	vbroadcast v4, $0xF;
	v5 =	vadd.f32 v5, v3  }
0x4f: {  	[tilespmem:s28+$0x110] =	vst v7;
	v7 =	vadd.f32 v58, v2  }
0x50: {  	v6 =	vadd.f32 v6, v3;
	[tilespmem:s28+$0x210] =	vst v5;
	v5 =	vmul.f32 v4, v0  }
0x51: {  	[tilespmem:s28+$0x280] =	vst v7;
	v59 =	vadd.f32 v57, v2;
	v4 =	vmul.f32 v4, v1  }
0x52: {  	[tilespmem:s28+$0x290] =	vst v6;
	v5 =	vadd.f32 v5, v2  }
0x53: {  	[tilespmem:s28+$0x200] =	vst v59;
	v4 =	vadd.f32 v4, v3  }
0x54: {  	[tilespmem:s28+$0x380] =	vst v5  }
0x55: {  	s29 =	simm.s32 $0x80;
	s30 =	simm.s32 $0x10;
	[tilespmem:s28+$0x390] =	vst v4  }
.LBB2_3:
0x56: {  	p0 =	sne.s32 s29, $0x1C0;
	v4 =	vld [tilespmem:s30+$0x180];
	_ =	sdelay $0x4  }
0x57: {  	v5 =	vbroadcast v4, $0x0;
	v6 =	vbroadcast v4, $0x1  }
0x58: {  	v7 =	vbroadcast v4, $0x2;
	v8 =	vbroadcast v4, $0x3  }
0x59: {  	v9 =	vmul.f32 v5, v0;
	v5 =	vmul.f32 v5, v1  }
0x5a: {  	v10 =	vmul.f32 v6, v0;
	v6 =	vmul.f32 v6, v1  }
0x5b: {  	v11 =	vmul.f32 v7, v0;
	v9 =	vadd.f32 v9, v2;
	v5 =	vadd.f32 v5, v3  }
0x5c: {  	s28 =	sadd.s32 $0x800, s28;
	v7 =	vmul.f32 v7, v1;
	v10 =	vadd.f32 v10, v2;
	v6 =	vadd.f32 v6, v3  }
0x5d: {  	[tilespmem:s28+$0xFFFFFC00] =	vst v9;
	v9 =	vadd.f32 v11, v2;
	v11 =	vmul.f32 v8, v0;
	v8 =	vmul.f32 v8, v1  }
0x5e: {  	v12 =	vbroadcast v4, $0x5;
	[tilespmem:s28+$0xFFFFFC10] =	vst v5;
	v5 =	vadd.f32 v7, v3;
	v7 =	vbroadcast v4, $0x4  }
0x5f: {  	[tilespmem:s28+$0xFFFFFC80] =	vst v10;
	v10 =	vadd.f32 v11, v2;
	v8 =	vadd.f32 v8, v3;
	v11 =	vbroadcast v4, $0x6  }
0x60: {  	[tilespmem:s28+$0xFFFFFC90] =	vst v6;
	v6 =	vmul.f32 v7, v0;
	v7 =	vmul.f32 v7, v1  }
0x61: {  	[tilespmem:s28+$0xFFFFFD00] =	vst v9;
	v9 =	vmul.f32 v12, v0;
	v12 =	vmul.f32 v12, v1  }
0x62: {  	[tilespmem:s28+$0xFFFFFD10] =	vst v5;
	v5 =	vadd.f32 v6, v2;
	v6 =	vadd.f32 v7, v3;
	v7 =	vmul.f32 v11, v0  }
0x63: {  	v11 =	vmul.f32 v11, v1;
	[tilespmem:s28+$0xFFFFFD80] =	vst v10;
	v9 =	vadd.f32 v9, v2;
	v10 =	vadd.f32 v12, v3  }
0x64: {  	v12 =	vbroadcast v4, $0x8;
	[tilespmem:s28+$0xFFFFFD90] =	vst v8;
	v7 =	vadd.f32 v7, v2;
	v8 =	vbroadcast v4, $0x7  }
0x65: {  	v13 =	vbroadcast v4, $0xA;
	[tilespmem:s28+$0xFFFFFE00] =	vst v5;
	v5 =	vadd.f32 v11, v3;
	v11 =	vbroadcast v4, $0x9  }
0x66: {  	[tilespmem:s28+$0xFFFFFE10] =	vst v6;
	v6 =	vmul.f32 v8, v0;
	v8 =	vmul.f32 v8, v1  }
0x67: {  	[tilespmem:s28+$0xFFFFFE80] =	vst v9;
	v9 =	vmul.f32 v12, v0;
	v12 =	vmul.f32 v12, v1  }
0x68: {  	[tilespmem:s28+$0xFFFFFE90] =	vst v10;
	v6 =	vadd.f32 v6, v2;
	v8 =	vadd.f32 v8, v3;
	v10 =	vmul.f32 v11, v0  }
0x69: {  	v11 =	vmul.f32 v11, v1;
	[tilespmem:s28+$0xFFFFFF00] =	vst v7;
	v7 =	vadd.f32 v9, v2;
	v9 =	vadd.f32 v12, v3  }
0x6a: {  	v12 =	vmul.f32 v13, v1;
	[tilespmem:s28+$0xFFFFFF10] =	vst v5;
	v5 =	vadd.f32 v10, v2;
	v10 =	vmul.f32 v13, v0  }
0x6b: {  	v13 =	vbroadcast v4, $0xC;
	[tilespmem:s28+$0xFFFFFF80] =	vst v6;
	v6 =	vadd.f32 v11, v3;
	v11 =	vbroadcast v4, $0xB  }
0x6c: {  	[tilespmem:s28+$0xFFFFFF90] =	vst v8;
	v8 =	vadd.f32 v10, v2;
	v10 =	vadd.f32 v12, v3;
	v12 =	vbroadcast v4, $0xD  }
0x6d: {  	[tilespmem:s28+$0x0] =	vst v7;
	v7 =	vmul.f32 v11, v0;
	v11 =	vmul.f32 v11, v1  }
0x6e: {  	[tilespmem:s28+$0x10] =	vst v9;
	v9 =	vmul.f32 v13, v0;
	v13 =	vmul.f32 v13, v1  }
0x6f: {  	[tilespmem:s28+$0x80] =	vst v5;
	v5 =	vadd.f32 v7, v2;
	v7 =	vadd.f32 v11, v3;
	v11 =	vmul.f32 v12, v0  }
0x70: {  	v12 =	vmul.f32 v12, v1;
	[tilespmem:s28+$0x90] =	vst v6;
	v6 =	vadd.f32 v9, v2;
	v9 =	vadd.f32 v13, v3  }
0x71: {  	[tilespmem:s28+$0x100] =	vst v8;
	v8 =	vadd.f32 v11, v2;
	v11 =	vbroadcast v4, $0xE;
	v4 =	vbroadcast v4, $0xF  }
0x72: {  	[tilespmem:s28+$0x110] =	vst v10;
	v10 =	vadd.f32 v12, v3  }
0x73: {  	[tilespmem:s28+$0x180] =	vst v5;
	v5 =	vmul.f32 v11, v0;
	v11 =	vmul.f32 v11, v1  }
0x74: {  	[tilespmem:s28+$0x190] =	vst v7;
	v7 =	vmul.f32 v4, v0;
	v4 =	vmul.f32 v4, v1  }
0x75: {  	[tilespmem:s28+$0x200] =	vst v6;
	v5 =	vadd.f32 v5, v2;
	v6 =	vadd.f32 v11, v3  }
0x76: {  	[tilespmem:s28+$0x210] =	vst v9;
	v7 =	vadd.f32 v7, v2;
	v4 =	vadd.f32 v4, v3  }
0x77: {  	[tilespmem:s28+$0x280] =	vst v8  }
.Ltmp0:
0x78: {  	[tilespmem:s28+$0x290] =	vst v10;
	(pc) =	sbr.rel @p0 .LBB2_3-.Ltmp0, $4  }
0x79: {  	[tilespmem:s28+$0x300] =	vst v5  }
0x7a: {  	[tilespmem:s28+$0x310] =	vst v6  }
0x7b: {  	[tilespmem:s28+$0x380] =	vst v7  }
0x7c: {  	s30 =	sshra.s32 s29, $0x2;
	s29 =	sadd.s32 $0x40, s29;
	[tilespmem:s28+$0x390] =	vst v4  }
0x7d: {  	v4 =	vld [tilespmem:s30+$0x180];
	_ =	sdelay $0x4  }
0x7e: {  	v5 =	vbroadcast v4, $0x0;
	_ =	sdelay $0x1  }
0x7f: {  	v6 =	vbroadcast v4, $0x1;
	v7 =	vmul.f32 v5, v0  }
0x80: {  	v5 =	vmul.f32 v5, v1  }
0x81: {  	v8 =	vbroadcast v4, $0x2;
	v9 =	vmul.f32 v6, v0;
	v7 =	vadd.f32 v7, v2  }
0x82: {  	s28 =	sadd.s32 $0x800, s28;
	v6 =	vmul.f32 v6, v1;
	v5 =	vadd.f32 v5, v3  }
0x83: {  	v10 =	vbroadcast v4, $0x3;
	v11 =	vmul.f32 v8, v0;
	v9 =	vadd.f32 v9, v2;
	[tilespmem:s28+$0xFFFFFC00] =	vst v7  }
0x84: {  	v6 =	vadd.f32 v6, v3;
	v7 =	vmul.f32 v8, v1;
	[tilespmem:s28+$0xFFFFFC10] =	vst v5  }
0x85: {  	v5 =	vadd.f32 v11, v2;
	v8 =	vmul.f32 v10, v0;
	v11 =	vbroadcast v4, $0x4;
	[tilespmem:s28+$0xFFFFFC80] =	vst v9  }
0x86: {  	v9 =	vmul.f32 v10, v1;
	[tilespmem:s28+$0xFFFFFC90] =	vst v6;
	v7 =	vadd.f32 v7, v3  }
0x87: {  	v6 =	vbroadcast v4, $0x5;
	v8 =	vadd.f32 v8, v2;
	v10 =	vmul.f32 v11, v0;
	[tilespmem:s28+$0xFFFFFD00] =	vst v5  }
0x88: {  	v5 =	vadd.f32 v9, v3;
	v9 =	vmul.f32 v11, v1;
	[tilespmem:s28+$0xFFFFFD10] =	vst v7  }
0x89: {  	v11 =	vmul.f32 v6, v0;
	v7 =	vbroadcast v4, $0x6;
	v10 =	vadd.f32 v10, v2;
	[tilespmem:s28+$0xFFFFFD80] =	vst v8  }
0x8a: {  	v6 =	vmul.f32 v6, v1;
	v8 =	vadd.f32 v9, v3;
	[tilespmem:s28+$0xFFFFFD90] =	vst v5  }
0x8b: {  	v9 =	vadd.f32 v11, v2;
	v11 =	vbroadcast v4, $0x7;
	v5 =	vmul.f32 v7, v0;
	[tilespmem:s28+$0xFFFFFE00] =	vst v10  }
0x8c: {  	v6 =	vadd.f32 v6, v3;
	v7 =	vmul.f32 v7, v1;
	[tilespmem:s28+$0xFFFFFE10] =	vst v8  }
0x8d: {  	v8 =	vbroadcast v4, $0x8;
	v10 =	vmul.f32 v11, v0;
	[tilespmem:s28+$0xFFFFFE80] =	vst v9;
	v5 =	vadd.f32 v5, v2  }
0x8e: {  	v9 =	vmul.f32 v11, v1;
	[tilespmem:s28+$0xFFFFFE90] =	vst v6;
	v7 =	vadd.f32 v7, v3  }
0x8f: {  	v6 =	vbroadcast v4, $0x9;
	v11 =	vmul.f32 v8, v0;
	v10 =	vadd.f32 v10, v2;
	[tilespmem:s28+$0xFFFFFF00] =	vst v5  }
0x90: {  	v5 =	vmul.f32 v8, v1;
	v8 =	vadd.f32 v9, v3;
	[tilespmem:s28+$0xFFFFFF10] =	vst v7  }
0x91: {  	v7 =	vbroadcast v4, $0xA;
	v9 =	vmul.f32 v6, v0;
	v11 =	vadd.f32 v11, v2;
	[tilespmem:s28+$0xFFFFFF80] =	vst v10  }
0x92: {  	v6 =	vmul.f32 v6, v1;
	v5 =	vadd.f32 v5, v3;
	[tilespmem:s28+$0xFFFFFF90] =	vst v8  }
0x93: {  	v10 =	vbroadcast v4, $0xB;
	v8 =	vadd.f32 v9, v2;
	v9 =	vmul.f32 v7, v0;
	[tilespmem:s28+$0x0] =	vst v11  }
0x94: {  	v7 =	vmul.f32 v7, v1;
	v6 =	vadd.f32 v6, v3;
	[tilespmem:s28+$0x10] =	vst v5  }
0x95: {  	v11 =	vmul.f32 v10, v0;
	v5 =	vbroadcast v4, $0xC;
	v9 =	vadd.f32 v9, v2;
	[tilespmem:s28+$0x80] =	vst v8  }
0x96: {  	v7 =	vadd.f32 v7, v3;
	v8 =	vmul.f32 v10, v1;
	[tilespmem:s28+$0x90] =	vst v6  }
0x97: {  	v6 =	vbroadcast v4, $0xD;
	v11 =	vadd.f32 v11, v2;
	v10 =	vmul.f32 v5, v0;
	[tilespmem:s28+$0x100] =	vst v9  }
0x98: {  	v5 =	vmul.f32 v5, v1;
	v8 =	vadd.f32 v8, v3;
	[tilespmem:s28+$0x110] =	vst v7  }
0x99: {  	v7 =	vmul.f32 v6, v0;
	[tilespmem:s28+$0x180] =	vst v11;
	v9 =	vadd.f32 v10, v2;
	v10 =	vbroadcast v4, $0xE  }
0x9a: {  	v6 =	vmul.f32 v6, v1;
	v5 =	vadd.f32 v5, v3;
	[tilespmem:s28+$0x190] =	vst v8  }
0x9b: {  	v7 =	vadd.f32 v7, v2;
	v4 =	vbroadcast v4, $0xF;
	v8 =	vmul.f32 v10, v0;
	[tilespmem:s28+$0x200] =	vst v9  }
0x9c: {  	v6 =	vadd.f32 v6, v3;
	v9 =	vmul.f32 v10, v1;
	[tilespmem:s28+$0x210] =	vst v5  }
0x9d: {  	v5 =	vmul.f32 v4, v0;
	[tilespmem:s28+$0x280] =	vst v7;
	v8 =	vadd.f32 v8, v2  }
0x9e: {  	v4 =	vmul.f32 v4, v1;
	[tilespmem:s28+$0x290] =	vst v6;
	v7 =	vadd.f32 v9, v3  }
0x9f: {  	v5 =	vadd.f32 v5, v2;
	[tilespmem:s28+$0x300] =	vst v8  }
0xa0: {  	v4 =	vadd.f32 v4, v3;
	[tilespmem:s28+$0x310] =	vst v7  }
0xa1: {  	[tilespmem:s28+$0x380] =	vst v5  }
0xa2: {  	[tilespmem:s28+$0x390] =	vst v4  }
0xa3: {  	_ =	swait.ge [sflag:s22], $0x4000  }
0xa4: {  	[sflag:s22] =	ssyncset.done $0x0  }
0xa5: {  	[sflag:s22] =	ssyncadd.s32 $0xFFFFC000  }
0xa6: {  	_ =	swait.ge [sflag:s22], $0x4000  }
0xa7: {  	[sflag:s22] =	ssyncset.done $0x0  }
0xa8: {  	[sflag:s22] =	ssyncadd.s32 $0xFFFFC000  }
0xa9: {  	_ =	swait.ge [sflag:s22], $0x4000  }
0xaa: {  	[sflag:s22] =	ssyncset.done $0x0  }
0xab: {  	s28 =	simm.s32 $0x0;
	[sflag:s22] =	ssyncadd.s32 $0xFFFFC000  }
0xac: {  	v4 =	vld [tilespmem:s28+$0x8A10]  }
0xad: {  	v5 =	vld [tilespmem:s28+$0x280]  }
0xae: {  	v6 =	vld [tilespmem:s28+$0x290]  }
0xaf: {  	v7 =	vld [tilespmem:s28+$0x4280]  }
0xb0: {  	v8 =	vld [tilespmem:s28+$0x4290]  }
0xb1: {  	v9 =	vld [tilespmem:s28+$0x8280];
	[tilespmem:s28+$0xCA50] =	vst v4  }
0xb2: {  	[tilespmem:s28+$0xC280] =	vst v5;
	v4 =	vld [tilespmem:s28+$0x8290]  }
0xb3: {  	[tilespmem:s28+$0xC290] =	vst v6;
	v5 =	vld [tilespmem:s28+$0x300]  }
0xb4: {  	[tilespmem:s28+$0xC2A0] =	vst v7;
	v6 =	vld [tilespmem:s28+$0x310]  }
0xb5: {  	[tilespmem:s28+$0xC2B0] =	vst v8;
	v7 =	vld [tilespmem:s28+$0x4300]  }
0xb6: {  	[tilespmem:s28+$0xC2C0] =	vst v9;
	v8 =	vld [tilespmem:s28+$0x4310]  }
0xb7: {  	[tilespmem:s28+$0xC2D0] =	vst v4;
	v4 =	vld [tilespmem:s28+$0x8300]  }
0xb8: {  	[tilespmem:s28+$0xC300] =	vst v5;
	v5 =	vld [tilespmem:s28+$0x8310]  }
0xb9: {  	[tilespmem:s28+$0xC310] =	vst v6;
	v6 =	vld [tilespmem:s28+$0x380]  }
0xba: {  	[tilespmem:s28+$0xC320] =	vst v7;
	v7 =	vld [tilespmem:s28+$0x390]  }
0xbb: {  	[tilespmem:s28+$0xC330] =	vst v8;
	v8 =	vld [tilespmem:s28+$0x4380]  }
0xbc: {  	[tilespmem:s28+$0xC340] =	vst v4;
	v4 =	vld [tilespmem:s28+$0x4390]  }
0xbd: {  	[tilespmem:s28+$0xC350] =	vst v5;
	v5 =	vld [tilespmem:s28+$0x8380]  }
0xbe: {  	[tilespmem:s28+$0xC380] =	vst v6;
	v6 =	vld [tilespmem:s28+$0x8390]  }
0xbf: {  	[tilespmem:s28+$0xC390] =	vst v7;
	v7 =	vld [tilespmem:s28+$0x400]  }
0xc0: {  	[tilespmem:s28+$0xC3A0] =	vst v8;
	v8 =	vld [tilespmem:s28+$0x410]  }
0xc1: {  	[tilespmem:s28+$0xC3B0] =	vst v4;
	v4 =	vld [tilespmem:s28+$0x4400]  }
0xc2: {  	[tilespmem:s28+$0xC3C0] =	vst v5;
	v5 =	vld [tilespmem:s28+$0x4410]  }
0xc3: {  	[tilespmem:s28+$0xC3D0] =	vst v6;
	v6 =	vld [tilespmem:s28+$0x8400]  }
0xc4: {  	[tilespmem:s28+$0xC400] =	vst v7;
	v7 =	vld [tilespmem:s28+$0x8410]  }
0xc5: {  	[tilespmem:s28+$0xC410] =	vst v8;
	v8 =	vld [tilespmem:s28+$0x480]  }
0xc6: {  	[tilespmem:s28+$0xC420] =	vst v4;
	v4 =	vld [tilespmem:s28+$0x490]  }
0xc7: {  	[tilespmem:s28+$0xC430] =	vst v5;
	v5 =	vld [tilespmem:s28+$0x4480]  }
0xc8: {  	[tilespmem:s28+$0xC440] =	vst v6;
	v6 =	vld [tilespmem:s28+$0x4490]  }
0xc9: {  	[tilespmem:s28+$0xC450] =	vst v7;
	v7 =	vld [tilespmem:s28+$0x8480]  }
0xca: {  	[tilespmem:s28+$0xC480] =	vst v8;
	v8 =	vld [tilespmem:s28+$0x8490]  }
0xcb: {  	[tilespmem:s28+$0xC490] =	vst v4;
	v4 =	vld [tilespmem:s28+$0x500]  }
0xcc: {  	[tilespmem:s28+$0xC4A0] =	vst v5;
	v5 =	vld [tilespmem:s28+$0x510]  }
0xcd: {  	[tilespmem:s28+$0xC4B0] =	vst v6;
	v6 =	vld [tilespmem:s28+$0x4500]  }
0xce: {  	[tilespmem:s28+$0xC4C0] =	vst v7;
	v7 =	vld [tilespmem:s28+$0x4510]  }
0xcf: {  	[tilespmem:s28+$0xC4D0] =	vst v8;
	v8 =	vld [tilespmem:s28+$0x8500]  }
0xd0: {  	[tilespmem:s28+$0xC500] =	vst v4;
	v4 =	vld [tilespmem:s28+$0x8510]  }
0xd1: {  	[tilespmem:s28+$0xC510] =	vst v5;
	v5 =	vld [tilespmem:s28+$0x580]  }
0xd2: {  	[tilespmem:s28+$0xC520] =	vst v6;
	v6 =	vld [tilespmem:s28+$0x590]  }
0xd3: {  	[tilespmem:s28+$0xC530] =	vst v7;
	v7 =	vld [tilespmem:s28+$0x4580]  }
0xd4: {  	[tilespmem:s28+$0xC540] =	vst v8;
	v8 =	vld [tilespmem:s28+$0x4590]  }
0xd5: {  	[tilespmem:s28+$0xC550] =	vst v4;
	v4 =	vld [tilespmem:s28+$0x8580]  }
0xd6: {  	[tilespmem:s28+$0xC580] =	vst v5;
	v5 =	vld [tilespmem:s28+$0x8590]  }
0xd7: {  	[tilespmem:s28+$0xC590] =	vst v6;
	v6 =	vld [tilespmem:s28+$0x600]  }
0xd8: {  	[tilespmem:s28+$0xC5A0] =	vst v7;
	v7 =	vld [tilespmem:s28+$0x610]  }
0xd9: {  	[tilespmem:s28+$0xC5B0] =	vst v8;
	v8 =	vld [tilespmem:s28+$0x4600]  }
0xda: {  	[tilespmem:s28+$0xC5C0] =	vst v4;
	v4 =	vld [tilespmem:s28+$0x4610]  }
0xdb: {  	[tilespmem:s28+$0xC5D0] =	vst v5;
	v5 =	vld [tilespmem:s28+$0x8600]  }
0xdc: {  	[tilespmem:s28+$0xC600] =	vst v6;
	v6 =	vld [tilespmem:s28+$0x8610]  }
0xdd: {  	[tilespmem:s28+$0xC610] =	vst v7;
	v7 =	vld [tilespmem:s28+$0x680]  }
0xde: {  	[tilespmem:s28+$0xC620] =	vst v8;
	v8 =	vld [tilespmem:s28+$0x690]  }
0xdf: {  	[tilespmem:s28+$0xC630] =	vst v4;
	v4 =	vld [tilespmem:s28+$0x4680]  }
0xe0: {  	[tilespmem:s28+$0xC640] =	vst v5;
	v5 =	vld [tilespmem:s28+$0x4690]  }
0xe1: {  	[tilespmem:s28+$0xC650] =	vst v6;
	v6 =	vld [tilespmem:s28+$0x8680]  }
0xe2: {  	[tilespmem:s28+$0xC680] =	vst v7;
	v7 =	vld [tilespmem:s28+$0x8690]  }
0xe3: {  	[tilespmem:s28+$0xC690] =	vst v8;
	v8 =	vld [tilespmem:s28+$0x700]  }
0xe4: {  	[tilespmem:s28+$0xC6A0] =	vst v4;
	v4 =	vld [tilespmem:s28+$0x710]  }
0xe5: {  	[tilespmem:s28+$0xC6B0] =	vst v5;
	v5 =	vld [tilespmem:s28+$0x4700]  }
0xe6: {  	[tilespmem:s28+$0xC6C0] =	vst v6;
	v6 =	vld [tilespmem:s28+$0x4710]  }
0xe7: {  	[tilespmem:s28+$0xC6D0] =	vst v7;
	v7 =	vld [tilespmem:s28+$0x8700]  }
0xe8: {  	[tilespmem:s28+$0xC700] =	vst v8;
	v8 =	vld [tilespmem:s28+$0x8710]  }
0xe9: {  	[tilespmem:s28+$0xC710] =	vst v4;
	v4 =	vld [tilespmem:s28+$0x780]  }
0xea: {  	[tilespmem:s28+$0xC720] =	vst v5;
	v5 =	vld [tilespmem:s28+$0x790]  }
0xeb: {  	[tilespmem:s28+$0xC730] =	vst v6;
	v6 =	vld [tilespmem:s28+$0x4780]  }
0xec: {  	[tilespmem:s28+$0xC740] =	vst v7;
	v7 =	vld [tilespmem:s28+$0x4790]  }
0xed: {  	[tilespmem:s28+$0xC750] =	vst v8;
	v8 =	vld [tilespmem:s28+$0x8780]  }
0xee: {  	[tilespmem:s28+$0xC780] =	vst v4;
	v4 =	vld [tilespmem:s28+$0x8790]  }
0xef: {  	[tilespmem:s28+$0xC790] =	vst v5;
	v5 =	vld [tilespmem:s28+$0x800]  }
0xf0: {  	[tilespmem:s28+$0xC7A0] =	vst v6;
	v6 =	vld [tilespmem:s28+$0x810]  }
0xf1: {  	[tilespmem:s28+$0xC7B0] =	vst v7;
	v7 =	vld [tilespmem:s28+$0x4800]  }
0xf2: {  	[tilespmem:s28+$0xC7C0] =	vst v8;
	v8 =	vld [tilespmem:s28+$0x4810]  }
0xf3: {  	[tilespmem:s28+$0xC7D0] =	vst v4;
	v4 =	vld [tilespmem:s28+$0x8800]  }
0xf4: {  	[tilespmem:s28+$0xC800] =	vst v5;
	v5 =	vld [tilespmem:s28+$0x8810]  }
0xf5: {  	[tilespmem:s28+$0xC810] =	vst v6;
	v6 =	vld [tilespmem:s28+$0x880]  }
0xf6: {  	[tilespmem:s28+$0xC820] =	vst v7;
	v7 =	vld [tilespmem:s28+$0x890]  }
0xf7: {  	[tilespmem:s28+$0xC830] =	vst v8;
	v8 =	vld [tilespmem:s28+$0x4880]  }
0xf8: {  	[tilespmem:s28+$0xC840] =	vst v4;
	v4 =	vld [tilespmem:s28+$0x4890]  }
0xf9: {  	[tilespmem:s28+$0xC850] =	vst v5;
	v5 =	vld [tilespmem:s28+$0x8880]  }
0xfa: {  	[tilespmem:s28+$0xC880] =	vst v6;
	v6 =	vld [tilespmem:s28+$0x8890]  }
0xfb: {  	[tilespmem:s28+$0xC890] =	vst v7;
	v7 =	vld [tilespmem:s28+$0x900]  }
0xfc: {  	[tilespmem:s28+$0xC8A0] =	vst v8;
	v8 =	vld [tilespmem:s28+$0x910]  }
0xfd: {  	[tilespmem:s28+$0xC8B0] =	vst v4;
	v4 =	vld [tilespmem:s28+$0x4900]  }
0xfe: {  	[tilespmem:s28+$0xC8C0] =	vst v5;
	v5 =	vld [tilespmem:s28+$0x4910]  }
0xff: {  	[tilespmem:s28+$0xC8D0] =	vst v6;
	v6 =	vld [tilespmem:s28+$0x8900]  }
0x100: {  	[tilespmem:s28+$0xC900] =	vst v7;
	v7 =	vld [tilespmem:s28+$0x8910]  }
0x101: {  	[tilespmem:s28+$0xC910] =	vst v8;
	v8 =	vld [tilespmem:s28+$0x980]  }
0x102: {  	[tilespmem:s28+$0xC920] =	vst v4;
	v4 =	vld [tilespmem:s28+$0x990]  }
0x103: {  	[tilespmem:s28+$0xC930] =	vst v5;
	v5 =	vld [tilespmem:s28+$0x4980]  }
0x104: {  	[tilespmem:s28+$0xC940] =	vst v6;
	v6 =	vld [tilespmem:s28+$0x4990]  }
0x105: {  	[tilespmem:s28+$0xC950] =	vst v7;
	v7 =	vld [tilespmem:s28+$0x8980]  }
0x106: {  	[tilespmem:s28+$0xC980] =	vst v8;
	v8 =	vld [tilespmem:s28+$0x8990]  }
0x107: {  	[tilespmem:s28+$0xC990] =	vst v4;
	v4 =	vld [tilespmem:s28+$0xA00]  }
0x108: {  	[tilespmem:s28+$0xC9A0] =	vst v5;
	v5 =	vld [tilespmem:s28+$0xA10]  }
0x109: {  	[tilespmem:s28+$0xC9B0] =	vst v6;
	v6 =	vld [tilespmem:s28+$0x4A00]  }
0x10a: {  	[tilespmem:s28+$0xC9C0] =	vst v7;
	v7 =	vld [tilespmem:s28+$0x4A10]  }
0x10b: {  	s30 =	simm.s32 $0x800;
	s29 =	simm.s32 $0x4000;
	[tilespmem:s28+$0xC9D0] =	vst v8;
	v8 =	vld [tilespmem:s28+$0x8A00]  }
.LBB2_5:
0x10c: {  	p0 =	sne.s32 s29, $0xE000;
	v9 =	vld [tilespmem:s30+$0x8A10];
	[tilespmem:s28+$0xCA00] =	vst v4  }
0x10d: {  	v4 =	vld [tilespmem:s30+$0x280];
	[tilespmem:s28+$0xCA10] =	vst v5  }
0x10e: {  	v5 =	vld [tilespmem:s30+$0x290];
	[tilespmem:s28+$0xCA20] =	vst v6  }
0x10f: {  	v6 =	vld [tilespmem:s30+$0x4280];
	[tilespmem:s28+$0xCA30] =	vst v7  }
0x110: {  	v7 =	vld [tilespmem:s30+$0x4290];
	[tilespmem:s28+$0xCA40] =	vst v8;
	s28 =	smov.u32 s30  }
0x111: {  	v8 =	vld [tilespmem:s28+$0x8280];
	[tilespmem:s28+$0xCA50] =	vst v9  }
0x112: {  	[tilespmem:s28+$0xC280] =	vst v4;
	v4 =	vld [tilespmem:s28+$0x8290]  }
0x113: {  	[tilespmem:s28+$0xC290] =	vst v5;
	v5 =	vld [tilespmem:s28+$0x300]  }
0x114: {  	[tilespmem:s28+$0xC2A0] =	vst v6;
	v6 =	vld [tilespmem:s28+$0x310]  }
0x115: {  	[tilespmem:s28+$0xC2B0] =	vst v7;
	v7 =	vld [tilespmem:s28+$0x4300]  }
0x116: {  	[tilespmem:s28+$0xC2C0] =	vst v8;
	v8 =	vld [tilespmem:s28+$0x4310]  }
0x117: {  	[tilespmem:s28+$0xC2D0] =	vst v4;
	v4 =	vld [tilespmem:s28+$0x8300]  }
0x118: {  	[tilespmem:s28+$0xC300] =	vst v5;
	v5 =	vld [tilespmem:s28+$0x8310]  }
0x119: {  	[tilespmem:s28+$0xC310] =	vst v6;
	v6 =	vld [tilespmem:s28+$0x380]  }
0x11a: {  	[tilespmem:s28+$0xC320] =	vst v7;
	v7 =	vld [tilespmem:s28+$0x390]  }
0x11b: {  	[tilespmem:s28+$0xC330] =	vst v8;
	v8 =	vld [tilespmem:s28+$0x4380]  }
0x11c: {  	[tilespmem:s28+$0xC340] =	vst v4;
	v4 =	vld [tilespmem:s28+$0x4390]  }
0x11d: {  	[tilespmem:s28+$0xC350] =	vst v5;
	v5 =	vld [tilespmem:s28+$0x8380]  }
0x11e: {  	[tilespmem:s28+$0xC380] =	vst v6;
	v6 =	vld [tilespmem:s28+$0x8390]  }
0x11f: {  	[tilespmem:s28+$0xC390] =	vst v7;
	v7 =	vld [tilespmem:s28+$0x400]  }
0x120: {  	[tilespmem:s28+$0xC3A0] =	vst v8;
	v8 =	vld [tilespmem:s28+$0x410]  }
0x121: {  	[tilespmem:s28+$0xC3B0] =	vst v4;
	v4 =	vld [tilespmem:s28+$0x4400]  }
0x122: {  	[tilespmem:s28+$0xC3C0] =	vst v5;
	v5 =	vld [tilespmem:s28+$0x4410]  }
0x123: {  	[tilespmem:s28+$0xC3D0] =	vst v6;
	v6 =	vld [tilespmem:s28+$0x8400]  }
0x124: {  	[tilespmem:s28+$0xC400] =	vst v7;
	v7 =	vld [tilespmem:s28+$0x8410]  }
0x125: {  	[tilespmem:s28+$0xC410] =	vst v8;
	v8 =	vld [tilespmem:s28+$0x480]  }
0x126: {  	[tilespmem:s28+$0xC420] =	vst v4;
	v4 =	vld [tilespmem:s28+$0x490]  }
0x127: {  	[tilespmem:s28+$0xC430] =	vst v5;
	v5 =	vld [tilespmem:s28+$0x4480]  }
0x128: {  	[tilespmem:s28+$0xC440] =	vst v6;
	v6 =	vld [tilespmem:s28+$0x4490]  }
0x129: {  	[tilespmem:s28+$0xC450] =	vst v7;
	v7 =	vld [tilespmem:s28+$0x8480]  }
0x12a: {  	[tilespmem:s28+$0xC480] =	vst v8;
	v8 =	vld [tilespmem:s28+$0x8490]  }
0x12b: {  	[tilespmem:s28+$0xC490] =	vst v4;
	v4 =	vld [tilespmem:s28+$0x500]  }
0x12c: {  	[tilespmem:s28+$0xC4A0] =	vst v5;
	v5 =	vld [tilespmem:s28+$0x510]  }
0x12d: {  	[tilespmem:s28+$0xC4B0] =	vst v6;
	v6 =	vld [tilespmem:s28+$0x4500]  }
0x12e: {  	[tilespmem:s28+$0xC4C0] =	vst v7;
	v7 =	vld [tilespmem:s28+$0x4510]  }
0x12f: {  	[tilespmem:s28+$0xC4D0] =	vst v8;
	v8 =	vld [tilespmem:s28+$0x8500]  }
0x130: {  	[tilespmem:s28+$0xC500] =	vst v4;
	v4 =	vld [tilespmem:s28+$0x8510]  }
0x131: {  	[tilespmem:s28+$0xC510] =	vst v5;
	v5 =	vld [tilespmem:s28+$0x580]  }
0x132: {  	[tilespmem:s28+$0xC520] =	vst v6;
	v6 =	vld [tilespmem:s28+$0x590]  }
0x133: {  	[tilespmem:s28+$0xC530] =	vst v7;
	v7 =	vld [tilespmem:s28+$0x4580]  }
0x134: {  	[tilespmem:s28+$0xC540] =	vst v8;
	v8 =	vld [tilespmem:s28+$0x4590]  }
0x135: {  	[tilespmem:s28+$0xC550] =	vst v4;
	v4 =	vld [tilespmem:s28+$0x8580]  }
0x136: {  	[tilespmem:s28+$0xC580] =	vst v5;
	v5 =	vld [tilespmem:s28+$0x8590]  }
0x137: {  	[tilespmem:s28+$0xC590] =	vst v6;
	v6 =	vld [tilespmem:s28+$0x600]  }
0x138: {  	[tilespmem:s28+$0xC5A0] =	vst v7;
	v7 =	vld [tilespmem:s28+$0x610]  }
0x139: {  	[tilespmem:s28+$0xC5B0] =	vst v8;
	v8 =	vld [tilespmem:s28+$0x4600]  }
0x13a: {  	[tilespmem:s28+$0xC5C0] =	vst v4;
	v4 =	vld [tilespmem:s28+$0x4610]  }
0x13b: {  	[tilespmem:s28+$0xC5D0] =	vst v5;
	v5 =	vld [tilespmem:s28+$0x8600]  }
0x13c: {  	[tilespmem:s28+$0xC600] =	vst v6;
	v6 =	vld [tilespmem:s28+$0x8610]  }
0x13d: {  	[tilespmem:s28+$0xC610] =	vst v7;
	v7 =	vld [tilespmem:s28+$0x680]  }
0x13e: {  	[tilespmem:s28+$0xC620] =	vst v8;
	v8 =	vld [tilespmem:s28+$0x690]  }
0x13f: {  	[tilespmem:s28+$0xC630] =	vst v4;
	v4 =	vld [tilespmem:s28+$0x4680]  }
0x140: {  	[tilespmem:s28+$0xC640] =	vst v5;
	v5 =	vld [tilespmem:s28+$0x4690]  }
0x141: {  	[tilespmem:s28+$0xC650] =	vst v6;
	v6 =	vld [tilespmem:s28+$0x8680]  }
0x142: {  	[tilespmem:s28+$0xC680] =	vst v7;
	v7 =	vld [tilespmem:s28+$0x8690]  }
0x143: {  	[tilespmem:s28+$0xC690] =	vst v8;
	v8 =	vld [tilespmem:s28+$0x700]  }
0x144: {  	[tilespmem:s28+$0xC6A0] =	vst v4;
	v4 =	vld [tilespmem:s28+$0x710]  }
0x145: {  	[tilespmem:s28+$0xC6B0] =	vst v5;
	v5 =	vld [tilespmem:s28+$0x4700]  }
0x146: {  	[tilespmem:s28+$0xC6C0] =	vst v6;
	v6 =	vld [tilespmem:s28+$0x4710]  }
0x147: {  	[tilespmem:s28+$0xC6D0] =	vst v7;
	v7 =	vld [tilespmem:s28+$0x8700]  }
0x148: {  	[tilespmem:s28+$0xC700] =	vst v8;
	v8 =	vld [tilespmem:s28+$0x8710]  }
0x149: {  	[tilespmem:s28+$0xC710] =	vst v4;
	v4 =	vld [tilespmem:s28+$0x780]  }
0x14a: {  	[tilespmem:s28+$0xC720] =	vst v5;
	v5 =	vld [tilespmem:s28+$0x790]  }
0x14b: {  	[tilespmem:s28+$0xC730] =	vst v6;
	v6 =	vld [tilespmem:s28+$0x4780]  }
0x14c: {  	[tilespmem:s28+$0xC740] =	vst v7;
	v7 =	vld [tilespmem:s28+$0x4790]  }
0x14d: {  	[tilespmem:s28+$0xC750] =	vst v8;
	v8 =	vld [tilespmem:s28+$0x8780]  }
0x14e: {  	[tilespmem:s28+$0xC780] =	vst v4;
	v4 =	vld [tilespmem:s28+$0x8790]  }
0x14f: {  	[tilespmem:s28+$0xC790] =	vst v5;
	v5 =	vld [tilespmem:s28+$0x800]  }
0x150: {  	[tilespmem:s28+$0xC7A0] =	vst v6;
	v6 =	vld [tilespmem:s28+$0x810]  }
0x151: {  	[tilespmem:s28+$0xC7B0] =	vst v7;
	v7 =	vld [tilespmem:s28+$0x4800]  }
0x152: {  	[tilespmem:s28+$0xC7C0] =	vst v8;
	v8 =	vld [tilespmem:s28+$0x4810]  }
0x153: {  	[tilespmem:s28+$0xC7D0] =	vst v4;
	v4 =	vld [tilespmem:s28+$0x8800]  }
0x154: {  	[tilespmem:s28+$0xC800] =	vst v5;
	v5 =	vld [tilespmem:s28+$0x8810]  }
0x155: {  	[tilespmem:s28+$0xC810] =	vst v6;
	v6 =	vld [tilespmem:s28+$0x880]  }
0x156: {  	[tilespmem:s28+$0xC820] =	vst v7;
	v7 =	vld [tilespmem:s28+$0x890]  }
0x157: {  	[tilespmem:s28+$0xC830] =	vst v8;
	v8 =	vld [tilespmem:s28+$0x4880]  }
0x158: {  	[tilespmem:s28+$0xC840] =	vst v4;
	v4 =	vld [tilespmem:s28+$0x4890]  }
0x159: {  	[tilespmem:s28+$0xC850] =	vst v5;
	v5 =	vld [tilespmem:s28+$0x8880]  }
0x15a: {  	[tilespmem:s28+$0xC880] =	vst v6;
	v6 =	vld [tilespmem:s28+$0x8890]  }
0x15b: {  	[tilespmem:s28+$0xC890] =	vst v7;
	v7 =	vld [tilespmem:s28+$0x900]  }
0x15c: {  	[tilespmem:s28+$0xC8A0] =	vst v8;
	v8 =	vld [tilespmem:s28+$0x910]  }
0x15d: {  	[tilespmem:s28+$0xC8B0] =	vst v4;
	v4 =	vld [tilespmem:s28+$0x4900]  }
0x15e: {  	[tilespmem:s28+$0xC8C0] =	vst v5;
	v5 =	vld [tilespmem:s28+$0x4910]  }
0x15f: {  	[tilespmem:s28+$0xC8D0] =	vst v6;
	v6 =	vld [tilespmem:s28+$0x8900]  }
0x160: {  	[tilespmem:s28+$0xC900] =	vst v7;
	v7 =	vld [tilespmem:s28+$0x8910]  }
0x161: {  	[tilespmem:s28+$0xC910] =	vst v8;
	v8 =	vld [tilespmem:s28+$0x980]  }
0x162: {  	[tilespmem:s28+$0xC920] =	vst v4;
	v4 =	vld [tilespmem:s28+$0x990]  }
0x163: {  	[tilespmem:s28+$0xC930] =	vst v5;
	v5 =	vld [tilespmem:s28+$0x4980]  }
0x164: {  	[tilespmem:s28+$0xC940] =	vst v6;
	v6 =	vld [tilespmem:s28+$0x4990]  }
0x165: {  	[tilespmem:s28+$0xC950] =	vst v7;
	v7 =	vld [tilespmem:s28+$0x8980]  }
0x166: {  	[tilespmem:s28+$0xC980] =	vst v8;
	v8 =	vld [tilespmem:s28+$0x8990]  }
.Ltmp1:
0x167: {  	[tilespmem:s28+$0xC990] =	vst v4;
	v4 =	vld [tilespmem:s28+$0xA00];
	(pc) =	sbr.rel @p0 .LBB2_5-.Ltmp1, $4  }
0x168: {  	[tilespmem:s28+$0xC9A0] =	vst v5;
	v5 =	vld [tilespmem:s28+$0xA10]  }
0x169: {  	[tilespmem:s28+$0xC9B0] =	vst v6;
	v6 =	vld [tilespmem:s28+$0x4A00]  }
0x16a: {  	[tilespmem:s28+$0xC9C0] =	vst v7;
	v7 =	vld [tilespmem:s28+$0x4A10]  }
0x16b: {  	s30 =	sshra.s32 s29, $0x2;
	s29 =	sadd.s32 $0x2000, s29;
	[tilespmem:s28+$0xC9D0] =	vst v8;
	v8 =	vld [tilespmem:s28+$0x8A00]  }
0x16c: {  	v9 =	vld [tilespmem:s30+$0x8A10];
	[tilespmem:s28+$0xCA00] =	vst v4  }
0x16d: {  	v4 =	vld [tilespmem:s30+$0x280];
	[tilespmem:s28+$0xCA10] =	vst v5  }
0x16e: {  	v5 =	vld [tilespmem:s30+$0x290];
	[tilespmem:s28+$0xCA20] =	vst v6  }
0x16f: {  	v6 =	vld [tilespmem:s30+$0x4280];
	[tilespmem:s28+$0xCA30] =	vst v7  }
0x170: {  	v7 =	vld [tilespmem:s30+$0x4290];
	[tilespmem:s28+$0xCA40] =	vst v8  }
0x171: {  	v8 =	vld [tilespmem:s30+$0x8280];
	[tilespmem:s30+$0xCA50] =	vst v9  }
0x172: {  	v62 =	vld [tilespmem:s30+$0x310];
	[tilespmem:s30+$0xC280] =	vst v4  }
0x173: {  	v63 =	vld [tilespmem:s30+$0x4300];
	[tilespmem:s30+$0xC290] =	vst v5  }
0x174: {  	v12 =	vld [tilespmem:s30+$0x4310];
	[tilespmem:s30+$0xC2A0] =	vst v6  }
0x175: {  	v4 =	vld [tilespmem:s30+$0x8290];
	[tilespmem:s30+$0xC2B0] =	vst v7  }
0x176: {  	v5 =	vld [tilespmem:s30+$0x300];
	[tilespmem:s30+$0xC2C0] =	vst v8  }
0x177: {  	v13 =	vld [tilespmem:s30+$0x380];
	[tilespmem:s30+$0xC310] =	vst v62  }
0x178: {  	v14 =	vld [tilespmem:s30+$0x390];
	[tilespmem:s30+$0xC320] =	vst v63  }
0x179: {  	v15 =	vld [tilespmem:s30+$0x4380];
	[tilespmem:s30+$0xC330] =	vst v12  }
0x17a: {  	[tilespmem:s30+$0xC2D0] =	vst v4;
	v4 =	vld [tilespmem:s30+$0x8300]  }
0x17b: {  	[tilespmem:s30+$0xC300] =	vst v5;
	v5 =	vld [tilespmem:s30+$0x8310]  }
0x17c: {  	v16 =	vld [tilespmem:s30+$0x8390];
	[tilespmem:s30+$0xC380] =	vst v13  }
0x17d: {  	v17 =	vld [tilespmem:s30+$0x400];
	[tilespmem:s30+$0xC390] =	vst v14  }
0x17e: {  	v18 =	vld [tilespmem:s30+$0x410];
	[tilespmem:s30+$0xC3A0] =	vst v15  }
0x17f: {  	[tilespmem:s30+$0xC340] =	vst v4;
	v4 =	vld [tilespmem:s30+$0x4390]  }
0x180: {  	[tilespmem:s30+$0xC350] =	vst v5;
	v5 =	vld [tilespmem:s30+$0x8380]  }
0x181: {  	v19 =	vld [tilespmem:s30+$0x8400];
	[tilespmem:s30+$0xC3D0] =	vst v16  }
0x182: {  	v20 =	vld [tilespmem:s30+$0x8410];
	[tilespmem:s30+$0xC400] =	vst v17  }
0x183: {  	v21 =	vld [tilespmem:s30+$0x480];
	[tilespmem:s30+$0xC410] =	vst v18  }
0x184: {  	[tilespmem:s30+$0xC3B0] =	vst v4;
	v4 =	vld [tilespmem:s30+$0x4400]  }
0x185: {  	[tilespmem:s30+$0xC3C0] =	vst v5;
	v5 =	vld [tilespmem:s30+$0x4410]  }
0x186: {  	v22 =	vld [tilespmem:s30+$0x4490];
	[tilespmem:s30+$0xC440] =	vst v19  }
0x187: {  	v23 =	vld [tilespmem:s30+$0x8480];
	[tilespmem:s30+$0xC450] =	vst v20  }
0x188: {  	v24 =	vld [tilespmem:s30+$0x8490];
	[tilespmem:s30+$0xC480] =	vst v21  }
0x189: {  	[tilespmem:s30+$0xC420] =	vst v4;
	v4 =	vld [tilespmem:s30+$0x490]  }
0x18a: {  	[tilespmem:s30+$0xC430] =	vst v5;
	v5 =	vld [tilespmem:s30+$0x4480]  }
0x18b: {  	v25 =	vld [tilespmem:s30+$0x4500];
	[tilespmem:s30+$0xC4B0] =	vst v22  }
0x18c: {  	v26 =	vld [tilespmem:s30+$0x4510];
	[tilespmem:s30+$0xC4C0] =	vst v23  }
0x18d: {  	v27 =	vld [tilespmem:s30+$0x8500];
	[tilespmem:s30+$0xC4D0] =	vst v24  }
0x18e: {  	[tilespmem:s30+$0xC490] =	vst v4;
	v4 =	vld [tilespmem:s30+$0x500]  }
0x18f: {  	[tilespmem:s30+$0xC4A0] =	vst v5;
	v5 =	vld [tilespmem:s30+$0x510]  }
0x190: {  	v28 =	vld [tilespmem:s30+$0x590];
	[tilespmem:s30+$0xC520] =	vst v25  }
0x191: {  	v29 =	vld [tilespmem:s30+$0x4580];
	[tilespmem:s30+$0xC530] =	vst v26  }
0x192: {  	v30 =	vld [tilespmem:s30+$0x4590];
	[tilespmem:s30+$0xC540] =	vst v27  }
0x193: {  	[tilespmem:s30+$0xC500] =	vst v4;
	v4 =	vld [tilespmem:s30+$0x8510]  }
0x194: {  	[tilespmem:s30+$0xC510] =	vst v5;
	v5 =	vld [tilespmem:s30+$0x580]  }
0x195: {  	v31 =	vld [tilespmem:s30+$0x600];
	[tilespmem:s30+$0xC590] =	vst v28  }
0x196: {  	v32 =	vld [tilespmem:s30+$0x610];
	[tilespmem:s30+$0xC5A0] =	vst v29  }
0x197: {  	v33 =	vld [tilespmem:s30+$0x4600];
	[tilespmem:s30+$0xC5B0] =	vst v30  }
0x198: {  	[tilespmem:s30+$0xC550] =	vst v4;
	v4 =	vld [tilespmem:s30+$0x8580]  }
0x199: {  	[tilespmem:s30+$0xC580] =	vst v5;
	v5 =	vld [tilespmem:s30+$0x8590]  }
0x19a: {  	v34 =	vld [tilespmem:s30+$0x8610];
	[tilespmem:s30+$0xC600] =	vst v31  }
0x19b: {  	v35 =	vld [tilespmem:s30+$0x680];
	[tilespmem:s30+$0xC610] =	vst v32  }
0x19c: {  	v36 =	vld [tilespmem:s30+$0x690];
	[tilespmem:s30+$0xC620] =	vst v33  }
0x19d: {  	[tilespmem:s30+$0xC5C0] =	vst v4;
	v4 =	vld [tilespmem:s30+$0x4610]  }
0x19e: {  	[tilespmem:s30+$0xC5D0] =	vst v5;
	v5 =	vld [tilespmem:s30+$0x8600]  }
0x19f: {  	v37 =	vld [tilespmem:s30+$0x8680];
	[tilespmem:s30+$0xC650] =	vst v34  }
0x1a0: {  	v38 =	vld [tilespmem:s30+$0x8690];
	[tilespmem:s30+$0xC680] =	vst v35  }
0x1a1: {  	v39 =	vld [tilespmem:s30+$0x700];
	[tilespmem:s30+$0xC690] =	vst v36  }
0x1a2: {  	[tilespmem:s30+$0xC630] =	vst v4;
	v4 =	vld [tilespmem:s30+$0x4680]  }
0x1a3: {  	[tilespmem:s30+$0xC640] =	vst v5;
	v5 =	vld [tilespmem:s30+$0x4690]  }
0x1a4: {  	v40 =	vld [tilespmem:s30+$0x4710];
	[tilespmem:s30+$0xC6C0] =	vst v37  }
0x1a5: {  	v41 =	vld [tilespmem:s30+$0x8700];
	[tilespmem:s30+$0xC6D0] =	vst v38  }
0x1a6: {  	v42 =	vld [tilespmem:s30+$0x8710];
	[tilespmem:s30+$0xC700] =	vst v39  }
0x1a7: {  	[tilespmem:s30+$0xC6A0] =	vst v4;
	v4 =	vld [tilespmem:s30+$0x710]  }
0x1a8: {  	[tilespmem:s30+$0xC6B0] =	vst v5;
	v5 =	vld [tilespmem:s30+$0x4700]  }
0x1a9: {  	v43 =	vld [tilespmem:s30+$0x4780];
	[tilespmem:s30+$0xC730] =	vst v40  }
0x1aa: {  	v44 =	vld [tilespmem:s30+$0x4790];
	[tilespmem:s30+$0xC740] =	vst v41  }
0x1ab: {  	v45 =	vld [tilespmem:s30+$0x8780];
	[tilespmem:s30+$0xC750] =	vst v42  }
0x1ac: {  	[tilespmem:s30+$0xC710] =	vst v4;
	v4 =	vld [tilespmem:s30+$0x780]  }
0x1ad: {  	[tilespmem:s30+$0xC720] =	vst v5;
	v5 =	vld [tilespmem:s30+$0x790]  }
0x1ae: {  	v46 =	vld [tilespmem:s30+$0x810];
	[tilespmem:s30+$0xC7A0] =	vst v43  }
0x1af: {  	v47 =	vld [tilespmem:s30+$0x4800];
	[tilespmem:s30+$0xC7B0] =	vst v44  }
0x1b0: {  	v48 =	vld [tilespmem:s30+$0x4810];
	[tilespmem:s30+$0xC7C0] =	vst v45  }
0x1b1: {  	[tilespmem:s30+$0xC780] =	vst v4;
	v4 =	vld [tilespmem:s30+$0x8790]  }
0x1b2: {  	[tilespmem:s30+$0xC790] =	vst v5;
	v5 =	vld [tilespmem:s30+$0x800]  }
0x1b3: {  	v49 =	vld [tilespmem:s30+$0x880];
	[tilespmem:s30+$0xC810] =	vst v46  }
0x1b4: {  	v50 =	vld [tilespmem:s30+$0x890];
	[tilespmem:s30+$0xC820] =	vst v47  }
0x1b5: {  	v51 =	vld [tilespmem:s30+$0x4880];
	[tilespmem:s30+$0xC830] =	vst v48  }
0x1b6: {  	[tilespmem:s30+$0xC7D0] =	vst v4;
	v4 =	vld [tilespmem:s30+$0x8800]  }
0x1b7: {  	[tilespmem:s30+$0xC800] =	vst v5;
	v5 =	vld [tilespmem:s30+$0x8810]  }
0x1b8: {  	v52 =	vld [tilespmem:s30+$0x8890];
	[tilespmem:s30+$0xC880] =	vst v49  }
0x1b9: {  	v53 =	vld [tilespmem:s30+$0x900];
	[tilespmem:s30+$0xC890] =	vst v50  }
0x1ba: {  	v54 =	vld [tilespmem:s30+$0x910];
	[tilespmem:s30+$0xC8A0] =	vst v51  }
0x1bb: {  	[tilespmem:s30+$0xC840] =	vst v4;
	v4 =	vld [tilespmem:s30+$0x4890]  }
0x1bc: {  	[tilespmem:s30+$0xC850] =	vst v5;
	v5 =	vld [tilespmem:s30+$0x8880]  }
0x1bd: {  	v55 =	vld [tilespmem:s30+$0x8900];
	[tilespmem:s30+$0xC8D0] =	vst v52  }
0x1be: {  	v56 =	vld [tilespmem:s30+$0x8910];
	[tilespmem:s30+$0xC900] =	vst v53  }
0x1bf: {  	v57 =	vld [tilespmem:s30+$0x980];
	[tilespmem:s30+$0xC910] =	vst v54  }
0x1c0: {  	[tilespmem:s30+$0xC8B0] =	vst v4;
	v4 =	vld [tilespmem:s30+$0x4900]  }
0x1c1: {  	[tilespmem:s30+$0xC8C0] =	vst v5;
	v5 =	vld [tilespmem:s30+$0x4910]  }
0x1c2: {  	v58 =	vld [tilespmem:s30+$0x4990];
	[tilespmem:s30+$0xC940] =	vst v55  }
0x1c3: {  	v59 =	vld [tilespmem:s30+$0x8980];
	[tilespmem:s30+$0xC950] =	vst v56  }
0x1c4: {  	v60 =	vld [tilespmem:s30+$0x8990];
	[tilespmem:s30+$0xC980] =	vst v57  }
0x1c5: {  	[tilespmem:s30+$0xC920] =	vst v4;
	v4 =	vld [tilespmem:s30+$0x990]  }
0x1c6: {  	[tilespmem:s30+$0xC930] =	vst v5;
	v5 =	vld [tilespmem:s30+$0x4980]  }
0x1c7: {  	v61 =	vld [tilespmem:s30+$0x4A00];
	[tilespmem:s30+$0xC9B0] =	vst v58  }
0x1c8: {  	[tilespmem:s30+$0xC9C0] =	vst v59;
	v62 =	vld [tilespmem:s30+$0x4A10]  }
0x1c9: {  	[tilespmem:s30+$0xC9D0] =	vst v60;
	v63 =	vld [tilespmem:s30+$0x8A00]  }
0x1ca: {  	[tilespmem:s30+$0xC990] =	vst v4;
	v4 =	vld [tilespmem:s30+$0xA00]  }
0x1cb: {  	[tilespmem:s30+$0xC9A0] =	vst v5;
	v5 =	vld [tilespmem:s30+$0xA10]  }
0x1cc: {  	[tilespmem:s30+$0xCA20] =	vst v61  }
0x1cd: {  	[tilespmem:s30+$0xCA30] =	vst v62  }
0x1ce: {  	s25 =	sadd.s32 $0x1, s25;
	[tilespmem:s30+$0xCA40] =	vst v63  }
0x1cf: {  	s26 =	sshll.u32 s26, $0x4;
	p0 =	sne.s32 s25, $0x32;
	[tilespmem:s30+$0xCA00] =	vst v4  }
.Ltmp2:
0x1d0: {  	s26 =	sadd.s32 s1, s26;
	[tilespmem:s30+$0xCA10] =	vst v5;
	(pc) =	sbr.rel @p0 .LBB2_2-.Ltmp2, $4  }
0x1d1: {  	[hbm4b:s26+s2] =	stream.linear.scatter [tilespmem:s23], [sflag:$0x2], $0x4000, $0x38;
	[tilespmem:$0x10280] =	vst v63  }
0x1d2: {  	_ =	swait.ge [sflag:s15], $0x4000  }
0x1d3: {  	[sflag:s15] =	ssyncset.done $0x0  }
0x1d4: {  	[sflag:s15] =	ssyncadd.s32 $0xFFFFC000  }
0x1d5: {  	s24 =	sadd.s32 $0x1, s24  }
0x1d6: {  	p0 =	sne.s32 s24, s13  }
.Ltmp3:
0x1d7: {  	_ = 	snop;
	(pc) =	sbr.rel @p0 .LBB2_1-.Ltmp3, $1  }
0x1d8: {  	_ =	sdelay $0x3  }
0x1d9: {  	_ =	sfence.sel $0x180000  }
0x1da: {  	[bflag:$0x0] =	sbarrier.arrive $0xFFFF  }
0x1db: {  	p0 =	sne.s32 s5, $0x0;
	_ =	strace $0x90000047  }
0x1dc: {  	s0 =	sadd.s32 @!p0 $0x100000, s0;
	[bflag:$0x2] =	sbarrier.arrive $0xFFFF  }
0x1dd: {  	[sflag:s0] =	ssyncadd.tile.s32 @!p0 $0x1;
	_ =	shalt  }
.Lfunc_end2:
_tile_overlayer_lowered:
.L_overlay_start_2:
0x1de: {  	(tag) =	ssettag $0x2  }
0x1df: {  	s0 =	rddreg [dreg:$0x0];
	s2 =	stileid.u32  }
0x1e0: {  	s1 =	rddreg [dreg:$0x1];
	p0 =	sne.s32 s2, $0x0  }
0x1e1: {  	s3 =	rddreg [dreg:$0x2];
	[bflag:$0x3] =	sbarrier.arrive $0xFFFF;
	s2 =	simm.s32 @!p0 $0x1C02  }
0x1e2: {  	[timem:s3], [sflag:s2] =	dma.local @!p0 [hbm:s0], s1  }
0x1e3: {  	s0 =	simm.s32 @!p0 $0x2  }
0x1e4: {  	_ =	swait.ge @!p0 [sflag:s0], s1  }
0x1e5: {  	s1 =	ssub.s32 @!p0 $0x0, s1;
	[sflag:s0] =	ssyncset.done @!p0 $0x0  }
0x1e6: {  	[sflag:s0] =	ssyncadd.s32 @!p0 s1  }
0x1e7: {  	[bflag:$0x3] =	sbarrier.arrive $0xFFFF  }
0x1e8: {  	_ =	shalt  }

</sc_bundles>
